<compile_context>
chip_gen: v7x
topology: tpu7x:2x2x1
jax: 0.10.2.dev20260603
libtpu: 0.0.44.dev20260713+nightly
codegen_flags: <defaults>
</compile_context>

<pallas_src>
import functools

import jax
import jax.numpy as jnp
from jax import lax
from jax.experimental import pallas as pl
from jax.experimental.pallas import tpu as pltpu
from jax.experimental.pallas import tpu_sc as plsc

B, L, V, D = 4096, 200, 100000, 64

NC, NS = 2, 16
NW = NC * NS
BPW = B // NW
NG = BPW // 16

COL_BLK = 25600


def _score_body(embt_ref, w_ref, b_ref, out_ref):
    e = embt_ref[...]
    w = w_ref[...]
    s = jax.lax.dot_general(w, e, (((1,), (0,)), ((), ())),
                            preferred_element_type=jnp.float32)
    out_ref[...] = s[0] + b_ref[0]


def _scores(embt, wt, b):
    grid = (V + COL_BLK - 1) // COL_BLK
    return pl.pallas_call(
        _score_body,
        grid=(grid,),
        in_specs=[
            pl.BlockSpec((D, COL_BLK), lambda i: (0, i)),
            pl.BlockSpec((1, D), lambda i: (0, 0)),
            pl.BlockSpec(memory_space=pltpu.SMEM),
        ],
        out_specs=pl.BlockSpec((COL_BLK,), lambda i: (i,)),
        out_shape=jax.ShapeDtypeStruct((V,), jnp.float32),
    )(embt, wt, b)


def _pool_body(s_hbm, xt_hbm, out_hbm, s_v, x_v, o_v, sem_s, sem_x):
    wid = lax.axis_index("s") * NC + lax.axis_index("c")
    base = wid * BPW

    cp_s = pltpu.make_async_copy(s_hbm, s_v, sem_s)
    cp_s.start()
    cp_x = pltpu.make_async_copy(xt_hbm.at[:, :, pl.ds(base, BPW)], x_v, sem_x)
    cp_x.start()
    cp_s.wait()
    cp_x.wait()

    zero = jnp.zeros((16,), jnp.float32)

    @plsc.parallel_loop(0, L // 8, carry=(zero,) * NG)
    def accs(lt, accs):
        accs = list(accs)
        for ls in range(8):
            idxs = [x_v[lt, ls, pl.ds(g * 16, 16)] for g in range(NG)]
            vals = [plsc.load_gather(s_v, [idx]) for idx in idxs]
            for g in range(NG):
                accs[g] = accs[g] + vals[g]
        return tuple(accs)

    inv_l = jnp.float32(1.0 / L)
    for g in range(NG):
        z = accs[g] * inv_l
        o_v[pl.ds(g * 16, 16)] = 1.0 / (1.0 + jnp.exp(-z))

    pltpu.sync_copy(o_v, out_hbm.at[pl.ds(base, BPW)])


_pool = functools.partial(
    pl.kernel,
    out_type=jax.ShapeDtypeStruct((B,), jnp.float32),
    mesh=plsc.VectorSubcoreMesh(core_axis_name="c", subcore_axis_name="s"),
    compiler_params=pltpu.CompilerParams(needs_layout_passes=False),
    scratch_types=[
        pltpu.VMEM((V,), jnp.float32),
        pltpu.VMEM((L // 8, 8, BPW), jnp.int32),
        pltpu.VMEM((BPW,), jnp.float32),
        pltpu.SemaphoreType.DMA,
        pltpu.SemaphoreType.DMA,
    ],
)(_pool_body)


@jax.jit
def kernel(x, emb, W, b):
    s = _scores(emb.T, W, b)
    xt3 = x.astype(jnp.int32).T.reshape(L // 8, 8, B)
    return _pool(s, xt3)

# --- scband reference (transcript-rebuilt; emitter-appended) ---
"""Pipeline reference for scband-sentiment-model-63170378989619 (READ-ONLY COPY).

The authoritative reference and input builder live on the scoring server;
editing this copy changes nothing except your own understanding.
"""

import jax, jax.numpy as jnp
import numpy as np

B, L, V, D = 4096, 200, 100000, 64

def setup_inputs(seed: int = 0) -> dict:
    key = jax.random.key(seed)
    k1, k2, k3 = jax.random.split(key, 3)
    x = jax.random.randint(k1, (B, L), 0, V)
    emb = jax.random.normal(k2, (V, D), dtype=jnp.float32)
    emb = emb.at[0].set(0.0)  # padding_idx=0 row is zeros
    W = jax.random.normal(k3, (1, D), dtype=jnp.float32) * (1.0 / np.sqrt(D))
    b = jnp.zeros((1,), dtype=jnp.float32)
    return {"x": x, "emb": emb, "W": W, "b": b}

def reference(x, emb, W, b):
    # embedded = self.embedding(x) -> gather
    embedded = jnp.take(emb, x, axis=0)            # [B, L, D]
    # pooled = embedded.mean(dim=1)
    pooled = embedded.mean(axis=1)                 # [B, D]
    # torch.sigmoid(self.fc(pooled)).squeeze(1)
    logits = pooled @ W.T + b                      # [B, 1]
    return jax.nn.sigmoid(logits).squeeze(1)       # [B]

if __name__ == "__main__":
    import jax
    _d = setup_inputs()
    print(jax.jit(kernel)(*tuple(_d.values())))

</pallas_src>

<mosaic_0001>
#map = affine_map<(d0, d1) -> (0)>
#map1 = affine_map<(d0, d1) -> (0, 0, 0)>
module attributes {stable_mosaic.version = 14 : i64} {
  func.func @_pool_body(%arg0: i32, %arg1: i32, %arg2: memref<100000xf32, #tpu.memory_space<hbm>>, %arg3: memref<25x8x4096xi32, #tpu.memory_space<hbm>>, %arg4: memref<4096xf32, #tpu.memory_space<hbm>>, %arg5: memref<100000xf32, #tpu.memory_space<vmem>>, %arg6: memref<25x8x128xi32, #tpu.memory_space<vmem>>, %arg7: memref<128xf32, #tpu.memory_space<vmem>>, %arg8: memref<!tpu.dma_semaphore, #tpu.memory_space<semaphore_mem>>, %arg9: memref<!tpu.dma_semaphore, #tpu.memory_space<semaphore_mem>>) attributes {dimension_semantics = [#tpu.dimension_semantics<core_parallel>, #tpu.dimension_semantics<subcore_parallel>], iteration_bounds = array<i64: 2, 16>, scalar_prefetch = 0 : i64, scratch_operands = 5 : i64, tpu.core_type = #tpu.core_type<sc_vector_subcore>, window_params = [{transform_indices = #map}, {transform_indices = #map1}, {transform_indices = #map}]} {
    %mul3A = arith.constant 2 : i32
    %mul3A_0 = arith.muli %arg1, %mul3A : i32
    %add3A = arith.addi %mul3A_0, %arg0 : i32
    %mul3A_1 = arith.constant 128 : i32
    %mul3A_2 = arith.muli %add3A, %mul3A_1 : i32
    tpu.enqueue_dma source(%arg2 : memref<100000xf32, #tpu.memory_space<hbm>>) target(%arg5 : memref<100000xf32, #tpu.memory_space<vmem>>) target_semaphore(%arg8 : memref<!tpu.dma_semaphore, #tpu.memory_space<semaphore_mem>>)
    %dma_start3A = arith.constant 0 : i32
    %dma_start3A_3 = arith.constant 0 : i32
    %dma_start3A_4 = tpu.memref_slice %arg3[%dma_start3A, %dma_start3A_3, %mul3A_2] : memref<25x8x4096xi32, #tpu.memory_space<hbm>> -> memref<25x8x128xi32, #tpu.memory_space<hbm>>
    %dma_start3A_5 = arith.constant 0 : i32
    %dma_start3A_6 = arith.constant 0 : i32
    %dma_start3A_7 = tpu.memref_slice %arg3[%dma_start3A_5, %dma_start3A_6, %mul3A_2] : memref<25x8x4096xi32, #tpu.memory_space<hbm>> -> memref<25x8x128xi32, #tpu.memory_space<hbm>>
    tpu.enqueue_dma source(%dma_start3A_7 : memref<25x8x128xi32, #tpu.memory_space<hbm>>) target(%arg6 : memref<25x8x128xi32, #tpu.memory_space<vmem>>) target_semaphore(%arg9 : memref<!tpu.dma_semaphore, #tpu.memory_space<semaphore_mem>>)
    tpu.wait_dma2 semaphore(%arg8 : memref<!tpu.dma_semaphore, #tpu.memory_space<semaphore_mem>>) src(%arg2 : memref<100000xf32, #tpu.memory_space<hbm>>) dst(%arg5 : memref<100000xf32, #tpu.memory_space<vmem>>)
    %dma_wait3A = arith.constant 0 : i32
    %dma_wait3A_8 = arith.constant 0 : i32
    %dma_wait3A_9 = tpu.memref_slice %arg3[%dma_wait3A, %dma_wait3A_8, %mul3A_2] : memref<25x8x4096xi32, #tpu.memory_space<hbm>> -> memref<25x8x128xi32, #tpu.memory_space<hbm>>
    %dma_wait3A_10 = arith.constant 0 : i32
    %dma_wait3A_11 = arith.constant 0 : i32
    %dma_wait3A_12 = tpu.memref_slice %arg3[%dma_wait3A_10, %dma_wait3A_11, %mul3A_2] : memref<25x8x4096xi32, #tpu.memory_space<hbm>> -> memref<25x8x128xi32, #tpu.memory_space<hbm>>
    tpu.wait_dma2 semaphore(%arg9 : memref<!tpu.dma_semaphore, #tpu.memory_space<semaphore_mem>>) src(%dma_wait3A_12 : memref<25x8x128xi32, #tpu.memory_space<hbm>>) dst(%arg6 : memref<25x8x128xi32, #tpu.memory_space<vmem>>)
    %broadcast_in_dim3A = arith.constant 0.000000e+00 : f32
    %broadcast_in_dim3A_13 = vector.broadcast %broadcast_in_dim3A : f32 to vector<16xf32>
    %parallel_loop3A = arith.constant 0 : i32
    %parallel_loop3A_14 = arith.constant 25 : i32
    %parallel_loop3A_15 = arith.constant 1 : i32
    %parallel_loop3A_16:8 = scf.for %parallel_loop3A_133 = %parallel_loop3A to %parallel_loop3A_14 step %parallel_loop3A_15 iter_args(%parallel_loop3A_134 = %broadcast_in_dim3A_13, %parallel_loop3A_135 = %broadcast_in_dim3A_13, %parallel_loop3A_136 = %broadcast_in_dim3A_13, %parallel_loop3A_137 = %broadcast_in_dim3A_13, %parallel_loop3A_138 = %broadcast_in_dim3A_13, %parallel_loop3A_139 = %broadcast_in_dim3A_13, %parallel_loop3A_140 = %broadcast_in_dim3A_13, %parallel_loop3A_141 = %broadcast_in_dim3A_13) -> (vector<16xf32>, vector<16xf32>, vector<16xf32>, vector<16xf32>, vector<16xf32>, vector<16xf32>, vector<16xf32>, vector<16xf32>)  : i32 {
      %parallel_loop3A_142 = arith.constant 0 : i32
      %parallel_loop3A_143 = arith.index_cast %parallel_loop3A_133 : i32 to index
      %parallel_loop3A_144 = arith.index_cast %parallel_loop3A_142 : i32 to index
      %parallel_loop3A_145 = arith.constant 0 : index
      %parallel_loop3A_146 = tpu.vector_load %arg6[%parallel_loop3A_143, %parallel_loop3A_144, %parallel_loop3A_145] {strides = array<i32>} : memref<25x8x128xi32, #tpu.memory_space<vmem>>, vector<16xi32>,
      %parallel_loop3A_147 = arith.constant 0 : i32
      %parallel_loop3A_148 = arith.index_cast %parallel_loop3A_133 : i32 to index
      %parallel_loop3A_149 = arith.index_cast %parallel_loop3A_147 : i32 to index
      %parallel_loop3A_150 = arith.constant 16 : index
      %parallel_loop3A_151 = tpu.vector_load %arg6[%parallel_loop3A_148, %parallel_loop3A_149, %parallel_loop3A_150] {strides = array<i32>} : memref<25x8x128xi32, #tpu.memory_space<vmem>>, vector<16xi32>,
      %parallel_loop3A_152 = arith.constant 0 : i32
      %parallel_loop3A_153 = arith.index_cast %parallel_loop3A_133 : i32 to index
      %parallel_loop3A_154 = arith.index_cast %parallel_loop3A_152 : i32 to index
      %parallel_loop3A_155 = arith.constant 32 : index
      %parallel_loop3A_156 = tpu.vector_load %arg6[%parallel_loop3A_153, %parallel_loop3A_154, %parallel_loop3A_155] {strides = array<i32>} : memref<25x8x128xi32, #tpu.memory_space<vmem>>, vector<16xi32>,
      %parallel_loop3A_157 = arith.constant 0 : i32
      %parallel_loop3A_158 = arith.index_cast %parallel_loop3A_133 : i32 to index
      %parallel_loop3A_159 = arith.index_cast %parallel_loop3A_157 : i32 to index
      %parallel_loop3A_160 = arith.constant 48 : index
      %parallel_loop3A_161 = tpu.vector_load %arg6[%parallel_loop3A_158, %parallel_loop3A_159, %parallel_loop3A_160] {strides = array<i32>} : memref<25x8x128xi32, #tpu.memory_space<vmem>>, vector<16xi32>,
      %parallel_loop3A_162 = arith.constant 0 : i32
      %parallel_loop3A_163 = arith.index_cast %parallel_loop3A_133 : i32 to index
      %parallel_loop3A_164 = arith.index_cast %parallel_loop3A_162 : i32 to index
      %parallel_loop3A_165 = arith.constant 64 : index
      %parallel_loop3A_166 = tpu.vector_load %arg6[%parallel_loop3A_163, %parallel_loop3A_164, %parallel_loop3A_165] {strides = array<i32>} : memref<25x8x128xi32, #tpu.memory_space<vmem>>, vector<16xi32>,
      %parallel_loop3A_167 = arith.constant 0 : i32
      %parallel_loop3A_168 = arith.index_cast %parallel_loop3A_133 : i32 to index
      %parallel_loop3A_169 = arith.index_cast %parallel_loop3A_167 : i32 to index
      %parallel_loop3A_170 = arith.constant 80 : index
      %parallel_loop3A_171 = tpu.vector_load %arg6[%parallel_loop3A_168, %parallel_loop3A_169, %parallel_loop3A_170] {strides = array<i32>} : memref<25x8x128xi32, #tpu.memory_space<vmem>>, vector<16xi32>,
      %parallel_loop3A_172 = arith.constant 0 : i32
      %parallel_loop3A_173 = arith.index_cast %parallel_loop3A_133 : i32 to index
      %parallel_loop3A_174 = arith.index_cast %parallel_loop3A_172 : i32 to index
      %parallel_loop3A_175 = arith.constant 96 : index
      %parallel_loop3A_176 = tpu.vector_load %arg6[%parallel_loop3A_173, %parallel_loop3A_174, %parallel_loop3A_175] {strides = array<i32>} : memref<25x8x128xi32, #tpu.memory_space<vmem>>, vector<16xi32>,
      %parallel_loop3A_177 = arith.constant 0 : i32
      %parallel_loop3A_178 = arith.index_cast %parallel_loop3A_133 : i32 to index
      %parallel_loop3A_179 = arith.index_cast %parallel_loop3A_177 : i32 to index
      %parallel_loop3A_180 = arith.constant 112 : index
      %parallel_loop3A_181 = tpu.vector_load %arg6[%parallel_loop3A_178, %parallel_loop3A_179, %parallel_loop3A_180] {strides = array<i32>} : memref<25x8x128xi32, #tpu.memory_space<vmem>>, vector<16xi32>,
      %parallel_loop3A_182 = tpu.vector_load_idx %arg5[%parallel_loop3A_146] : memref<100000xf32, #tpu.memory_space<vmem>>[vector<16xi32>], vector<16xf32>,
      %parallel_loop3A_183 = tpu.vector_load_idx %arg5[%parallel_loop3A_151] : memref<100000xf32, #tpu.memory_space<vmem>>[vector<16xi32>], vector<16xf32>,
      %parallel_loop3A_184 = tpu.vector_load_idx %arg5[%parallel_loop3A_156] : memref<100000xf32, #tpu.memory_space<vmem>>[vector<16xi32>], vector<16xf32>,
      %parallel_loop3A_185 = tpu.vector_load_idx %arg5[%parallel_loop3A_161] : memref<100000xf32, #tpu.memory_space<vmem>>[vector<16xi32>], vector<16xf32>,
      %parallel_loop3A_186 = tpu.vector_load_idx %arg5[%parallel_loop3A_166] : memref<100000xf32, #tpu.memory_space<vmem>>[vector<16xi32>], vector<16xf32>,
      %parallel_loop3A_187 = tpu.vector_load_idx %arg5[%parallel_loop3A_171] : memref<100000xf32, #tpu.memory_space<vmem>>[vector<16xi32>], vector<16xf32>,
      %parallel_loop3A_188 = tpu.vector_load_idx %arg5[%parallel_loop3A_176] : memref<100000xf32, #tpu.memory_space<vmem>>[vector<16xi32>], vector<16xf32>,
      %parallel_loop3A_189 = tpu.vector_load_idx %arg5[%parallel_loop3A_181] : memref<100000xf32, #tpu.memory_space<vmem>>[vector<16xi32>], vector<16xf32>,
      %parallel_loop3A_190 = arith.addf %parallel_loop3A_134, %parallel_loop3A_182 : vector<16xf32>
      %parallel_loop3A_191 = arith.addf %parallel_loop3A_135, %parallel_loop3A_183 : vector<16xf32>
      %parallel_loop3A_192 = arith.addf %parallel_loop3A_136, %parallel_loop3A_184 : vector<16xf32>
      %parallel_loop3A_193 = arith.addf %parallel_loop3A_137, %parallel_loop3A_185 : vector<16xf32>
      %parallel_loop3A_194 = arith.addf %parallel_loop3A_138, %parallel_loop3A_186 : vector<16xf32>
      %parallel_loop3A_195 = arith.addf %parallel_loop3A_139, %parallel_loop3A_187 : vector<16xf32>
      %parallel_loop3A_196 = arith.addf %parallel_loop3A_140, %parallel_loop3A_188 : vector<16xf32>
      %parallel_loop3A_197 = arith.addf %parallel_loop3A_141, %parallel_loop3A_189 : vector<16xf32>
      %parallel_loop3A_198 = arith.constant 1 : i32
      %parallel_loop3A_199 = arith.index_cast %parallel_loop3A_133 : i32 to index
      %parallel_loop3A_200 = arith.index_cast %parallel_loop3A_198 : i32 to index
      %parallel_loop3A_201 = arith.constant 0 : index
      %parallel_loop3A_202 = tpu.vector_load %arg6[%parallel_loop3A_199, %parallel_loop3A_200, %parallel_loop3A_201] {strides = array<i32>} : memref<25x8x128xi32, #tpu.memory_space<vmem>>, vector<16xi32>,
      %parallel_loop3A_203 = arith.constant 1 : i32
      %parallel_loop3A_204 = arith.index_cast %parallel_loop3A_133 : i32 to index
      %parallel_loop3A_205 = arith.index_cast %parallel_loop3A_203 : i32 to index
      %parallel_loop3A_206 = arith.constant 16 : index
      %parallel_loop3A_207 = tpu.vector_load %arg6[%parallel_loop3A_204, %parallel_loop3A_205, %parallel_loop3A_206] {strides = array<i32>} : memref<25x8x128xi32, #tpu.memory_space<vmem>>, vector<16xi32>,
      %parallel_loop3A_208 = arith.constant 1 : i32
      %parallel_loop3A_209 = arith.index_cast %parallel_loop3A_133 : i32 to index
      %parallel_loop3A_210 = arith.index_cast %parallel_loop3A_208 : i32 to index
      %parallel_loop3A_211 = arith.constant 32 : index
      %parallel_loop3A_212 = tpu.vector_load %arg6[%parallel_loop3A_209, %parallel_loop3A_210, %parallel_loop3A_211] {strides = array<i32>} : memref<25x8x128xi32, #tpu.memory_space<vmem>>, vector<16xi32>,
      %parallel_loop3A_213 = arith.constant 1 : i32
      %parallel_loop3A_214 = arith.index_cast %parallel_loop3A_133 : i32 to index
      %parallel_loop3A_215 = arith.index_cast %parallel_loop3A_213 : i32 to index
      %parallel_loop3A_216 = arith.constant 48 : index
      %parallel_loop3A_217 = tpu.vector_load %arg6[%parallel_loop3A_214, %parallel_loop3A_215, %parallel_loop3A_216] {strides = array<i32>} : memref<25x8x128xi32, #tpu.memory_space<vmem>>, vector<16xi32>,
      %parallel_loop3A_218 = arith.constant 1 : i32
      %parallel_loop3A_219 = arith.index_cast %parallel_loop3A_133 : i32 to index
      %parallel_loop3A_220 = arith.index_cast %parallel_loop3A_218 : i32 to index
      %parallel_loop3A_221 = arith.constant 64 : index
      %parallel_loop3A_222 = tpu.vector_load %arg6[%parallel_loop3A_219, %parallel_loop3A_220, %parallel_loop3A_221] {strides = array<i32>} : memref<25x8x128xi32, #tpu.memory_space<vmem>>, vector<16xi32>,
      %parallel_loop3A_223 = arith.constant 1 : i32
      %parallel_loop3A_224 = arith.index_cast %parallel_loop3A_133 : i32 to index
      %parallel_loop3A_225 = arith.index_cast %parallel_loop3A_223 : i32 to index
      %parallel_loop3A_226 = arith.constant 80 : index
      %parallel_loop3A_227 = tpu.vector_load %arg6[%parallel_loop3A_224, %parallel_loop3A_225, %parallel_loop3A_226] {strides = array<i32>} : memref<25x8x128xi32, #tpu.memory_space<vmem>>, vector<16xi32>,
      %parallel_loop3A_228 = arith.constant 1 : i32
      %parallel_loop3A_229 = arith.index_cast %parallel_loop3A_133 : i32 to index
      %parallel_loop3A_230 = arith.index_cast %parallel_loop3A_228 : i32 to index
      %parallel_loop3A_231 = arith.constant 96 : index
      %parallel_loop3A_232 = tpu.vector_load %arg6[%parallel_loop3A_229, %parallel_loop3A_230, %parallel_loop3A_231] {strides = array<i32>} : memref<25x8x128xi32, #tpu.memory_space<vmem>>, vector<16xi32>,
      %parallel_loop3A_233 = arith.constant 1 : i32
      %parallel_loop3A_234 = arith.index_cast %parallel_loop3A_133 : i32 to index
      %parallel_loop3A_235 = arith.index_cast %parallel_loop3A_233 : i32 to index
      %parallel_loop3A_236 = arith.constant 112 : index
      %parallel_loop3A_237 = tpu.vector_load %arg6[%parallel_loop3A_234, %parallel_loop3A_235, %parallel_loop3A_236] {strides = array<i32>} : memref<25x8x128xi32, #tpu.memory_space<vmem>>, vector<16xi32>,
      %parallel_loop3A_238 = tpu.vector_load_idx %arg5[%parallel_loop3A_202] : memref<100000xf32, #tpu.memory_space<vmem>>[vector<16xi32>], vector<16xf32>,
      %parallel_loop3A_239 = tpu.vector_load_idx %arg5[%parallel_loop3A_207] : memref<100000xf32, #tpu.memory_space<vmem>>[vector<16xi32>], vector<16xf32>,
      %parallel_loop3A_240 = tpu.vector_load_idx %arg5[%parallel_loop3A_212] : memref<100000xf32, #tpu.memory_space<vmem>>[vector<16xi32>], vector<16xf32>,
      %parallel_loop3A_241 = tpu.vector_load_idx %arg5[%parallel_loop3A_217] : memref<100000xf32, #tpu.memory_space<vmem>>[vector<16xi32>], vector<16xf32>,
      %parallel_loop3A_242 = tpu.vector_load_idx %arg5[%parallel_loop3A_222] : memref<100000xf32, #tpu.memory_space<vmem>>[vector<16xi32>], vector<16xf32>,
      %parallel_loop3A_243 = tpu.vector_load_idx %arg5[%parallel_loop3A_227] : memref<100000xf32, #tpu.memory_space<vmem>>[vector<16xi32>], vector<16xf32>,
      %parallel_loop3A_244 = tpu.vector_load_idx %arg5[%parallel_loop3A_232] : memref<100000xf32, #tpu.memory_space<vmem>>[vector<16xi32>], vector<16xf32>,
      %parallel_loop3A_245 = tpu.vector_load_idx %arg5[%parallel_loop3A_237] : memref<100000xf32, #tpu.memory_space<vmem>>[vector<16xi32>], vector<16xf32>,
      %parallel_loop3A_246 = arith.addf %parallel_loop3A_190, %parallel_loop3A_238 : vector<16xf32>
      %parallel_loop3A_247 = arith.addf %parallel_loop3A_191, %parallel_loop3A_239 : vector<16xf32>
      %parallel_loop3A_248 = arith.addf %parallel_loop3A_192, %parallel_loop3A_240 : vector<16xf32>
      %parallel_loop3A_249 = arith.addf %parallel_loop3A_193, %parallel_loop3A_241 : vector<16xf32>
      %parallel_loop3A_250 = arith.addf %parallel_loop3A_194, %parallel_loop3A_242 : vector<16xf32>
      %parallel_loop3A_251 = arith.addf %parallel_loop3A_195, %parallel_loop3A_243 : vector<16xf32>
      %parallel_loop3A_252 = arith.addf %parallel_loop3A_196, %parallel_loop3A_244 : vector<16xf32>
      %parallel_loop3A_253 = arith.addf %parallel_loop3A_197, %parallel_loop3A_245 : vector<16xf32>
      %parallel_loop3A_254 = arith.constant 2 : i32
      %parallel_loop3A_255 = arith.index_cast %parallel_loop3A_133 : i32 to index
      %parallel_loop3A_256 = arith.index_cast %parallel_loop3A_254 : i32 to index
      %parallel_loop3A_257 = arith.constant 0 : index
      %parallel_loop3A_258 = tpu.vector_load %arg6[%parallel_loop3A_255, %parallel_loop3A_256, %parallel_loop3A_257] {strides = array<i32>} : memref<25x8x128xi32, #tpu.memory_space<vmem>>, vector<16xi32>,
      %parallel_loop3A_259 = arith.constant 2 : i32
      %parallel_loop3A_260 = arith.index_cast %parallel_loop3A_133 : i32 to index
      %parallel_loop3A_261 = arith.index_cast %parallel_loop3A_259 : i32 to index
      %parallel_loop3A_262 = arith.constant 16 : index
      %parallel_loop3A_263 = tpu.vector_load %arg6[%parallel_loop3A_260, %parallel_loop3A_261, %parallel_loop3A_262] {strides = array<i32>} : memref<25x8x128xi32, #tpu.memory_space<vmem>>, vector<16xi32>,
      %parallel_loop3A_264 = arith.constant 2 : i32
      %parallel_loop3A_265 = arith.index_cast %parallel_loop3A_133 : i32 to index
      %parallel_loop3A_266 = arith.index_cast %parallel_loop3A_264 : i32 to index
      %parallel_loop3A_267 = arith.constant 32 : index
      %parallel_loop3A_268 = tpu.vector_load %arg6[%parallel_loop3A_265, %parallel_loop3A_266, %parallel_loop3A_267] {strides = array<i32>} : memref<25x8x128xi32, #tpu.memory_space<vmem>>, vector<16xi32>,
      %parallel_loop3A_269 = arith.constant 2 : i32
      %parallel_loop3A_270 = arith.index_cast %parallel_loop3A_133 : i32 to index
      %parallel_loop3A_271 = arith.index_cast %parallel_loop3A_269 : i32 to index
      %parallel_loop3A_272 = arith.constant 48 : index
      %parallel_loop3A_273 = tpu.vector_load %arg6[%parallel_loop3A_270, %parallel_loop3A_271, %parallel_loop3A_272] {strides = array<i32>} : memref<25x8x128xi32, #tpu.memory_space<vmem>>, vector<16xi32>,
      %parallel_loop3A_274 = arith.constant 2 : i32
      %parallel_loop3A_275 = arith.index_cast %parallel_loop3A_133 : i32 to index
      %parallel_loop3A_276 = arith.index_cast %parallel_loop3A_274 : i32 to index
      %parallel_loop3A_277 = arith.constant 64 : index
      %parallel_loop3A_278 = tpu.vector_load %arg6[%parallel_loop3A_275, %parallel_loop3A_276, %parallel_loop3A_277] {strides = array<i32>} : memref<25x8x128xi32, #tpu.memory_space<vmem>>, vector<16xi32>,
      %parallel_loop3A_279 = arith.constant 2 : i32
      %parallel_loop3A_280 = arith.index_cast %parallel_loop3A_133 : i32 to index
      %parallel_loop3A_281 = arith.index_cast %parallel_loop3A_279 : i32 to index
      %parallel_loop3A_282 = arith.constant 80 : index
      %parallel_loop3A_283 = tpu.vector_load %arg6[%parallel_loop3A_280, %parallel_loop3A_281, %parallel_loop3A_282] {strides = array<i32>} : memref<25x8x128xi32, #tpu.memory_space<vmem>>, vector<16xi32>,
      %parallel_loop3A_284 = arith.constant 2 : i32
      %parallel_loop3A_285 = arith.index_cast %parallel_loop3A_133 : i32 to index
      %parallel_loop3A_286 = arith.index_cast %parallel_loop3A_284 : i32 to index
      %parallel_loop3A_287 = arith.constant 96 : index
      %parallel_loop3A_288 = tpu.vector_load %arg6[%parallel_loop3A_285, %parallel_loop3A_286, %parallel_loop3A_287] {strides = array<i32>} : memref<25x8x128xi32, #tpu.memory_space<vmem>>, vector<16xi32>,
      %parallel_loop3A_289 = arith.constant 2 : i32
      %parallel_loop3A_290 = arith.index_cast %parallel_loop3A_133 : i32 to index
      %parallel_loop3A_291 = arith.index_cast %parallel_loop3A_289 : i32 to index
      %parallel_loop3A_292 = arith.constant 112 : index
      %parallel_loop3A_293 = tpu.vector_load %arg6[%parallel_loop3A_290, %parallel_loop3A_291, %parallel_loop3A_292] {strides = array<i32>} : memref<25x8x128xi32, #tpu.memory_space<vmem>>, vector<16xi32>,
      %parallel_loop3A_294 = tpu.vector_load_idx %arg5[%parallel_loop3A_258] : memref<100000xf32, #tpu.memory_space<vmem>>[vector<16xi32>], vector<16xf32>,
      %parallel_loop3A_295 = tpu.vector_load_idx %arg5[%parallel_loop3A_263] : memref<100000xf32, #tpu.memory_space<vmem>>[vector<16xi32>], vector<16xf32>,
      %parallel_loop3A_296 = tpu.vector_load_idx %arg5[%parallel_loop3A_268] : memref<100000xf32, #tpu.memory_space<vmem>>[vector<16xi32>], vector<16xf32>,
      %parallel_loop3A_297 = tpu.vector_load_idx %arg5[%parallel_loop3A_273] : memref<100000xf32, #tpu.memory_space<vmem>>[vector<16xi32>], vector<16xf32>,
      %parallel_loop3A_298 = tpu.vector_load_idx %arg5[%parallel_loop3A_278] : memref<100000xf32, #tpu.memory_space<vmem>>[vector<16xi32>], vector<16xf32>,
      %parallel_loop3A_299 = tpu.vector_load_idx %arg5[%parallel_loop3A_283] : memref<100000xf32, #tpu.memory_space<vmem>>[vector<16xi32>], vector<16xf32>,
      %parallel_loop3A_300 = tpu.vector_load_idx %arg5[%parallel_loop3A_288] : memref<100000xf32, #tpu.memory_space<vmem>>[vector<16xi32>], vector<16xf32>,
      %parallel_loop3A_301 = tpu.vector_load_idx %arg5[%parallel_loop3A_293] : memref<100000xf32, #tpu.memory_space<vmem>>[vector<16xi32>], vector<16xf32>,
      %parallel_loop3A_302 = arith.addf %parallel_loop3A_246, %parallel_loop3A_294 : vector<16xf32>
      %parallel_loop3A_303 = arith.addf %parallel_loop3A_247, %parallel_loop3A_295 : vector<16xf32>
      %parallel_loop3A_304 = arith.addf %parallel_loop3A_248, %parallel_loop3A_296 : vector<16xf32>
      %parallel_loop3A_305 = arith.addf %parallel_loop3A_249, %parallel_loop3A_297 : vector<16xf32>
      %parallel_loop3A_306 = arith.addf %parallel_loop3A_250, %parallel_loop3A_298 : vector<16xf32>
      %parallel_loop3A_307 = arith.addf %parallel_loop3A_251, %parallel_loop3A_299 : vector<16xf32>
      %parallel_loop3A_308 = arith.addf %parallel_loop3A_252, %parallel_loop3A_300 : vector<16xf32>
      %parallel_loop3A_309 = arith.addf %parallel_loop3A_253, %parallel_loop3A_301 : vector<16xf32>
      %parallel_loop3A_310 = arith.constant 3 : i32
      %parallel_loop3A_311 = arith.index_cast %parallel_loop3A_133 : i32 to index
      %parallel_loop3A_312 = arith.index_cast %parallel_loop3A_310 : i32 to index
      %parallel_loop3A_313 = arith.constant 0 : index
      %parallel_loop3A_314 = tpu.vector_load %arg6[%parallel_loop3A_311, %parallel_loop3A_312, %parallel_loop3A_313] {strides = array<i32>} : memref<25x8x128xi32, #tpu.memory_space<vmem>>, vector<16xi32>,
      %parallel_loop3A_315 = arith.constant 3 : i32
      %parallel_loop3A_316 = arith.index_cast %parallel_loop3A_133 : i32 to index
      %parallel_loop3A_317 = arith.index_cast %parallel_loop3A_315 : i32 to index
      %parallel_loop3A_318 = arith.constant 16 : index
      %parallel_loop3A_319 = tpu.vector_load %arg6[%parallel_loop3A_316, %parallel_loop3A_317, %parallel_loop3A_318] {strides = array<i32>} : memref<25x8x128xi32, #tpu.memory_space<vmem>>, vector<16xi32>,
      %parallel_loop3A_320 = arith.constant 3 : i32
      %parallel_loop3A_321 = arith.index_cast %parallel_loop3A_133 : i32 to index
      %parallel_loop3A_322 = arith.index_cast %parallel_loop3A_320 : i32 to index
      %parallel_loop3A_323 = arith.constant 32 : index
      %parallel_loop3A_324 = tpu.vector_load %arg6[%parallel_loop3A_321, %parallel_loop3A_322, %parallel_loop3A_323] {strides = array<i32>} : memref<25x8x128xi32, #tpu.memory_space<vmem>>, vector<16xi32>,
      %parallel_loop3A_325 = arith.constant 3 : i32
      %parallel_loop3A_326 = arith.index_cast %parallel_loop3A_133 : i32 to index
      %parallel_loop3A_327 = arith.index_cast %parallel_loop3A_325 : i32 to index
      %parallel_loop3A_328 = arith.constant 48 : index
      %parallel_loop3A_329 = tpu.vector_load %arg6[%parallel_loop3A_326, %parallel_loop3A_327, %parallel_loop3A_328] {strides = array<i32>} : memref<25x8x128xi32, #tpu.memory_space<vmem>>, vector<16xi32>,
      %parallel_loop3A_330 = arith.constant 3 : i32
      %parallel_loop3A_331 = arith.index_cast %parallel_loop3A_133 : i32 to index
      %parallel_loop3A_332 = arith.index_cast %parallel_loop3A_330 : i32 to index
      %parallel_loop3A_333 = arith.constant 64 : index
      %parallel_loop3A_334 = tpu.vector_load %arg6[%parallel_loop3A_331, %parallel_loop3A_332, %parallel_loop3A_333] {strides = array<i32>} : memref<25x8x128xi32, #tpu.memory_space<vmem>>, vector<16xi32>,
      %parallel_loop3A_335 = arith.constant 3 : i32
      %parallel_loop3A_336 = arith.index_cast %parallel_loop3A_133 : i32 to index
      %parallel_loop3A_337 = arith.index_cast %parallel_loop3A_335 : i32 to index
      %parallel_loop3A_338 = arith.constant 80 : index
      %parallel_loop3A_339 = tpu.vector_load %arg6[%parallel_loop3A_336, %parallel_loop3A_337, %parallel_loop3A_338] {strides = array<i32>} : memref<25x8x128xi32, #tpu.memory_space<vmem>>, vector<16xi32>,
      %parallel_loop3A_340 = arith.constant 3 : i32
      %parallel_loop3A_341 = arith.index_cast %parallel_loop3A_133 : i32 to index
      %parallel_loop3A_342 = arith.index_cast %parallel_loop3A_340 : i32 to index
      %parallel_loop3A_343 = arith.constant 96 : index
      %parallel_loop3A_344 = tpu.vector_load %arg6[%parallel_loop3A_341, %parallel_loop3A_342, %parallel_loop3A_343] {strides = array<i32>} : memref<25x8x128xi32, #tpu.memory_space<vmem>>, vector<16xi32>,
      %parallel_loop3A_345 = arith.constant 3 : i32
      %parallel_loop3A_346 = arith.index_cast %parallel_loop3A_133 : i32 to index
      %parallel_loop3A_347 = arith.index_cast %parallel_loop3A_345 : i32 to index
      %parallel_loop3A_348 = arith.constant 112 : index
      %parallel_loop3A_349 = tpu.vector_load %arg6[%parallel_loop3A_346, %parallel_loop3A_347, %parallel_loop3A_348] {strides = array<i32>} : memref<25x8x128xi32, #tpu.memory_space<vmem>>, vector<16xi32>,
      %parallel_loop3A_350 = tpu.vector_load_idx %arg5[%parallel_loop3A_314] : memref<100000xf32, #tpu.memory_space<vmem>>[vector<16xi32>], vector<16xf32>,
      %parallel_loop3A_351 = tpu.vector_load_idx %arg5[%parallel_loop3A_319] : memref<100000xf32, #tpu.memory_space<vmem>>[vector<16xi32>], vector<16xf32>,
      %parallel_loop3A_352 = tpu.vector_load_idx %arg5[%parallel_loop3A_324] : memref<100000xf32, #tpu.memory_space<vmem>>[vector<16xi32>], vector<16xf32>,
      %parallel_loop3A_353 = tpu.vector_load_idx %arg5[%parallel_loop3A_329] : memref<100000xf32, #tpu.memory_space<vmem>>[vector<16xi32>], vector<16xf32>,
      %parallel_loop3A_354 = tpu.vector_load_idx %arg5[%parallel_loop3A_334] : memref<100000xf32, #tpu.memory_space<vmem>>[vector<16xi32>], vector<16xf32>,
      %parallel_loop3A_355 = tpu.vector_load_idx %arg5[%parallel_loop3A_339] : memref<100000xf32, #tpu.memory_space<vmem>>[vector<16xi32>], vector<16xf32>,
      %parallel_loop3A_356 = tpu.vector_load_idx %arg5[%parallel_loop3A_344] : memref<100000xf32, #tpu.memory_space<vmem>>[vector<16xi32>], vector<16xf32>,
      %parallel_loop3A_357 = tpu.vector_load_idx %arg5[%parallel_loop3A_349] : memref<100000xf32, #tpu.memory_space<vmem>>[vector<16xi32>], vector<16xf32>,
      %parallel_loop3A_358 = arith.addf %parallel_loop3A_302, %parallel_loop3A_350 : vector<16xf32>
      %parallel_loop3A_359 = arith.addf %parallel_loop3A_303, %parallel_loop3A_351 : vector<16xf32>
      %parallel_loop3A_360 = arith.addf %parallel_loop3A_304, %parallel_loop3A_352 : vector<16xf32>
      %parallel_loop3A_361 = arith.addf %parallel_loop3A_305, %parallel_loop3A_353 : vector<16xf32>
      %parallel_loop3A_362 = arith.addf %parallel_loop3A_306, %parallel_loop3A_354 : vector<16xf32>
      %parallel_loop3A_363 = arith.addf %parallel_loop3A_307, %parallel_loop3A_355 : vector<16xf32>
      %parallel_loop3A_364 = arith.addf %parallel_loop3A_308, %parallel_loop3A_356 : vector<16xf32>
      %parallel_loop3A_365 = arith.addf %parallel_loop3A_309, %parallel_loop3A_357 : vector<16xf32>
      %parallel_loop3A_366 = arith.constant 4 : i32
      %parallel_loop3A_367 = arith.index_cast %parallel_loop3A_133 : i32 to index
      %parallel_loop3A_368 = arith.index_cast %parallel_loop3A_366 : i32 to index
      %parallel_loop3A_369 = arith.constant 0 : index
      %parallel_loop3A_370 = tpu.vector_load %arg6[%parallel_loop3A_367, %parallel_loop3A_368, %parallel_loop3A_369] {strides = array<i32>} : memref<25x8x128xi32, #tpu.memory_space<vmem>>, vector<16xi32>,
      %parallel_loop3A_371 = arith.constant 4 : i32
      %parallel_loop3A_372 = arith.index_cast %parallel_loop3A_133 : i32 to index
      %parallel_loop3A_373 = arith.index_cast %parallel_loop3A_371 : i32 to index
      %parallel_loop3A_374 = arith.constant 16 : index
      %parallel_loop3A_375 = tpu.vector_load %arg6[%parallel_loop3A_372, %parallel_loop3A_373, %parallel_loop3A_374] {strides = array<i32>} : memref<25x8x128xi32, #tpu.memory_space<vmem>>, vector<16xi32>,
      %parallel_loop3A_376 = arith.constant 4 : i32
      %parallel_loop3A_377 = arith.index_cast %parallel_loop3A_133 : i32 to index
      %parallel_loop3A_378 = arith.index_cast %parallel_loop3A_376 : i32 to index
      %parallel_loop3A_379 = arith.constant 32 : index
      %parallel_loop3A_380 = tpu.vector_load %arg6[%parallel_loop3A_377, %parallel_loop3A_378, %parallel_loop3A_379] {strides = array<i32>} : memref<25x8x128xi32, #tpu.memory_space<vmem>>, vector<16xi32>,
      %parallel_loop3A_381 = arith.constant 4 : i32
      %parallel_loop3A_382 = arith.index_cast %parallel_loop3A_133 : i32 to index
      %parallel_loop3A_383 = arith.index_cast %parallel_loop3A_381 : i32 to index
      %parallel_loop3A_384 = arith.constant 48 : index
      %parallel_loop3A_385 = tpu.vector_load %arg6[%parallel_loop3A_382, %parallel_loop3A_383, %parallel_loop3A_384] {strides = array<i32>} : memref<25x8x128xi32, #tpu.memory_space<vmem>>, vector<16xi32>,
      %parallel_loop3A_386 = arith.constant 4 : i32
      %parallel_loop3A_387 = arith.index_cast %parallel_loop3A_133 : i32 to index
      %parallel_loop3A_388 = arith.index_cast %parallel_loop3A_386 : i32 to index
      %parallel_loop3A_389 = arith.constant 64 : index
      %parallel_loop3A_390 = tpu.vector_load %arg6[%parallel_loop3A_387, %parallel_loop3A_388, %parallel_loop3A_389] {strides = array<i32>} : memref<25x8x128xi32, #tpu.memory_space<vmem>>, vector<16xi32>,
      %parallel_loop3A_391 = arith.constant 4 : i32
      %parallel_loop3A_392 = arith.index_cast %parallel_loop3A_133 : i32 to index
      %parallel_loop3A_393 = arith.index_cast %parallel_loop3A_391 : i32 to index
      %parallel_loop3A_394 = arith.constant 80 : index
      %parallel_loop3A_395 = tpu.vector_load %arg6[%parallel_loop3A_392, %parallel_loop3A_393, %parallel_loop3A_394] {strides = array<i32>} : memref<25x8x128xi32, #tpu.memory_space<vmem>>, vector<16xi32>,
      %parallel_loop3A_396 = arith.constant 4 : i32
      %parallel_loop3A_397 = arith.index_cast %parallel_loop3A_133 : i32 to index
      %parallel_loop3A_398 = arith.index_cast %parallel_loop3A_396 : i32 to index
      %parallel_loop3A_399 = arith.constant 96 : index
      %parallel_loop3A_400 = tpu.vector_load %arg6[%parallel_loop3A_397, %parallel_loop3A_398, %parallel_loop3A_399] {strides = array<i32>} : memref<25x8x128xi32, #tpu.memory_space<vmem>>, vector<16xi32>,
      %parallel_loop3A_401 = arith.constant 4 : i32
      %parallel_loop3A_402 = arith.index_cast %parallel_loop3A_133 : i32 to index
      %parallel_loop3A_403 = arith.index_cast %parallel_loop3A_401 : i32 to index
      %parallel_loop3A_404 = arith.constant 112 : index
      %parallel_loop3A_405 = tpu.vector_load %arg6[%parallel_loop3A_402, %parallel_loop3A_403, %parallel_loop3A_404] {strides = array<i32>} : memref<25x8x128xi32, #tpu.memory_space<vmem>>, vector<16xi32>,
      %parallel_loop3A_406 = tpu.vector_load_idx %arg5[%parallel_loop3A_370] : memref<100000xf32, #tpu.memory_space<vmem>>[vector<16xi32>], vector<16xf32>,
      %parallel_loop3A_407 = tpu.vector_load_idx %arg5[%parallel_loop3A_375] : memref<100000xf32, #tpu.memory_space<vmem>>[vector<16xi32>], vector<16xf32>,
      %parallel_loop3A_408 = tpu.vector_load_idx %arg5[%parallel_loop3A_380] : memref<100000xf32, #tpu.memory_space<vmem>>[vector<16xi32>], vector<16xf32>,
      %parallel_loop3A_409 = tpu.vector_load_idx %arg5[%parallel_loop3A_385] : memref<100000xf32, #tpu.memory_space<vmem>>[vector<16xi32>], vector<16xf32>,
      %parallel_loop3A_410 = tpu.vector_load_idx %arg5[%parallel_loop3A_390] : memref<100000xf32, #tpu.memory_space<vmem>>[vector<16xi32>], vector<16xf32>,
      %parallel_loop3A_411 = tpu.vector_load_idx %arg5[%parallel_loop3A_395] : memref<100000xf32, #tpu.memory_space<vmem>>[vector<16xi32>], vector<16xf32>,
      %parallel_loop3A_412 = tpu.vector_load_idx %arg5[%parallel_loop3A_400] : memref<100000xf32, #tpu.memory_space<vmem>>[vector<16xi32>], vector<16xf32>,
      %parallel_loop3A_413 = tpu.vector_load_idx %arg5[%parallel_loop3A_405] : memref<100000xf32, #tpu.memory_space<vmem>>[vector<16xi32>], vector<16xf32>,
      %parallel_loop3A_414 = arith.addf %parallel_loop3A_358, %parallel_loop3A_406 : vector<16xf32>
      %parallel_loop3A_415 = arith.addf %parallel_loop3A_359, %parallel_loop3A_407 : vector<16xf32>
      %parallel_loop3A_416 = arith.addf %parallel_loop3A_360, %parallel_loop3A_408 : vector<16xf32>
      %parallel_loop3A_417 = arith.addf %parallel_loop3A_361, %parallel_loop3A_409 : vector<16xf32>
      %parallel_loop3A_418 = arith.addf %parallel_loop3A_362, %parallel_loop3A_410 : vector<16xf32>
      %parallel_loop3A_419 = arith.addf %parallel_loop3A_363, %parallel_loop3A_411 : vector<16xf32>
      %parallel_loop3A_420 = arith.addf %parallel_loop3A_364, %parallel_loop3A_412 : vector<16xf32>
      %parallel_loop3A_421 = arith.addf %parallel_loop3A_365, %parallel_loop3A_413 : vector<16xf32>
      %parallel_loop3A_422 = arith.constant 5 : i32
      %parallel_loop3A_423 = arith.index_cast %parallel_loop3A_133 : i32 to index
      %parallel_loop3A_424 = arith.index_cast %parallel_loop3A_422 : i32 to index
      %parallel_loop3A_425 = arith.constant 0 : index
      %parallel_loop3A_426 = tpu.vector_load %arg6[%parallel_loop3A_423, %parallel_loop3A_424, %parallel_loop3A_425] {strides = array<i32>} : memref<25x8x128xi32, #tpu.memory_space<vmem>>, vector<16xi32>,
      %parallel_loop3A_427 = arith.constant 5 : i32
      %parallel_loop3A_428 = arith.index_cast %parallel_loop3A_133 : i32 to index
      %parallel_loop3A_429 = arith.index_cast %parallel_loop3A_427 : i32 to index
      %parallel_loop3A_430 = arith.constant 16 : index
      %parallel_loop3A_431 = tpu.vector_load %arg6[%parallel_loop3A_428, %parallel_loop3A_429, %parallel_loop3A_430] {strides = array<i32>} : memref<25x8x128xi32, #tpu.memory_space<vmem>>, vector<16xi32>,
      %parallel_loop3A_432 = arith.constant 5 : i32
      %parallel_loop3A_433 = arith.index_cast %parallel_loop3A_133 : i32 to index
      %parallel_loop3A_434 = arith.index_cast %parallel_loop3A_432 : i32 to index
      %parallel_loop3A_435 = arith.constant 32 : index
      %parallel_loop3A_436 = tpu.vector_load %arg6[%parallel_loop3A_433, %parallel_loop3A_434, %parallel_loop3A_435] {strides = array<i32>} : memref<25x8x128xi32, #tpu.memory_space<vmem>>, vector<16xi32>,
      %parallel_loop3A_437 = arith.constant 5 : i32
      %parallel_loop3A_438 = arith.index_cast %parallel_loop3A_133 : i32 to index
      %parallel_loop3A_439 = arith.index_cast %parallel_loop3A_437 : i32 to index
      %parallel_loop3A_440 = arith.constant 48 : index
      %parallel_loop3A_441 = tpu.vector_load %arg6[%parallel_loop3A_438, %parallel_loop3A_439, %parallel_loop3A_440] {strides = array<i32>} : memref<25x8x128xi32, #tpu.memory_space<vmem>>, vector<16xi32>,
      %parallel_loop3A_442 = arith.constant 5 : i32
      %parallel_loop3A_443 = arith.index_cast %parallel_loop3A_133 : i32 to index
      %parallel_loop3A_444 = arith.index_cast %parallel_loop3A_442 : i32 to index
      %parallel_loop3A_445 = arith.constant 64 : index
      %parallel_loop3A_446 = tpu.vector_load %arg6[%parallel_loop3A_443, %parallel_loop3A_444, %parallel_loop3A_445] {strides = array<i32>} : memref<25x8x128xi32, #tpu.memory_space<vmem>>, vector<16xi32>,
      %parallel_loop3A_447 = arith.constant 5 : i32
      %parallel_loop3A_448 = arith.index_cast %parallel_loop3A_133 : i32 to index
      %parallel_loop3A_449 = arith.index_cast %parallel_loop3A_447 : i32 to index
      %parallel_loop3A_450 = arith.constant 80 : index
      %parallel_loop3A_451 = tpu.vector_load %arg6[%parallel_loop3A_448, %parallel_loop3A_449, %parallel_loop3A_450] {strides = array<i32>} : memref<25x8x128xi32, #tpu.memory_space<vmem>>, vector<16xi32>,
      %parallel_loop3A_452 = arith.constant 5 : i32
      %parallel_loop3A_453 = arith.index_cast %parallel_loop3A_133 : i32 to index
      %parallel_loop3A_454 = arith.index_cast %parallel_loop3A_452 : i32 to index
      %parallel_loop3A_455 = arith.constant 96 : index
      %parallel_loop3A_456 = tpu.vector_load %arg6[%parallel_loop3A_453, %parallel_loop3A_454, %parallel_loop3A_455] {strides = array<i32>} : memref<25x8x128xi32, #tpu.memory_space<vmem>>, vector<16xi32>,
      %parallel_loop3A_457 = arith.constant 5 : i32
      %parallel_loop3A_458 = arith.index_cast %parallel_loop3A_133 : i32 to index
      %parallel_loop3A_459 = arith.index_cast %parallel_loop3A_457 : i32 to index
      %parallel_loop3A_460 = arith.constant 112 : index
      %parallel_loop3A_461 = tpu.vector_load %arg6[%parallel_loop3A_458, %parallel_loop3A_459, %parallel_loop3A_460] {strides = array<i32>} : memref<25x8x128xi32, #tpu.memory_space<vmem>>, vector<16xi32>,
      %parallel_loop3A_462 = tpu.vector_load_idx %arg5[%parallel_loop3A_426] : memref<100000xf32, #tpu.memory_space<vmem>>[vector<16xi32>], vector<16xf32>,
      %parallel_loop3A_463 = tpu.vector_load_idx %arg5[%parallel_loop3A_431] : memref<100000xf32, #tpu.memory_space<vmem>>[vector<16xi32>], vector<16xf32>,
      %parallel_loop3A_464 = tpu.vector_load_idx %arg5[%parallel_loop3A_436] : memref<100000xf32, #tpu.memory_space<vmem>>[vector<16xi32>], vector<16xf32>,
      %parallel_loop3A_465 = tpu.vector_load_idx %arg5[%parallel_loop3A_441] : memref<100000xf32, #tpu.memory_space<vmem>>[vector<16xi32>], vector<16xf32>,
      %parallel_loop3A_466 = tpu.vector_load_idx %arg5[%parallel_loop3A_446] : memref<100000xf32, #tpu.memory_space<vmem>>[vector<16xi32>], vector<16xf32>,
      %parallel_loop3A_467 = tpu.vector_load_idx %arg5[%parallel_loop3A_451] : memref<100000xf32, #tpu.memory_space<vmem>>[vector<16xi32>], vector<16xf32>,
      %parallel_loop3A_468 = tpu.vector_load_idx %arg5[%parallel_loop3A_456] : memref<100000xf32, #tpu.memory_space<vmem>>[vector<16xi32>], vector<16xf32>,
      %parallel_loop3A_469 = tpu.vector_load_idx %arg5[%parallel_loop3A_461] : memref<100000xf32, #tpu.memory_space<vmem>>[vector<16xi32>], vector<16xf32>,
      %parallel_loop3A_470 = arith.addf %parallel_loop3A_414, %parallel_loop3A_462 : vector<16xf32>
      %parallel_loop3A_471 = arith.addf %parallel_loop3A_415, %parallel_loop3A_463 : vector<16xf32>
      %parallel_loop3A_472 = arith.addf %parallel_loop3A_416, %parallel_loop3A_464 : vector<16xf32>
      %parallel_loop3A_473 = arith.addf %parallel_loop3A_417, %parallel_loop3A_465 : vector<16xf32>
      %parallel_loop3A_474 = arith.addf %parallel_loop3A_418, %parallel_loop3A_466 : vector<16xf32>
      %parallel_loop3A_475 = arith.addf %parallel_loop3A_419, %parallel_loop3A_467 : vector<16xf32>
      %parallel_loop3A_476 = arith.addf %parallel_loop3A_420, %parallel_loop3A_468 : vector<16xf32>
      %parallel_loop3A_477 = arith.addf %parallel_loop3A_421, %parallel_loop3A_469 : vector<16xf32>
      %parallel_loop3A_478 = arith.constant 6 : i32
      %parallel_loop3A_479 = arith.index_cast %parallel_loop3A_133 : i32 to index
      %parallel_loop3A_480 = arith.index_cast %parallel_loop3A_478 : i32 to index
      %parallel_loop3A_481 = arith.constant 0 : index
      %parallel_loop3A_482 = tpu.vector_load %arg6[%parallel_loop3A_479, %parallel_loop3A_480, %parallel_loop3A_481] {strides = array<i32>} : memref<25x8x128xi32, #tpu.memory_space<vmem>>, vector<16xi32>,
      %parallel_loop3A_483 = arith.constant 6 : i32
      %parallel_loop3A_484 = arith.index_cast %parallel_loop3A_133 : i32 to index
      %parallel_loop3A_485 = arith.index_cast %parallel_loop3A_483 : i32 to index
      %parallel_loop3A_486 = arith.constant 16 : index
      %parallel_loop3A_487 = tpu.vector_load %arg6[%parallel_loop3A_484, %parallel_loop3A_485, %parallel_loop3A_486] {strides = array<i32>} : memref<25x8x128xi32, #tpu.memory_space<vmem>>, vector<16xi32>,
      %parallel_loop3A_488 = arith.constant 6 : i32
      %parallel_loop3A_489 = arith.index_cast %parallel_loop3A_133 : i32 to index
      %parallel_loop3A_490 = arith.index_cast %parallel_loop3A_488 : i32 to index
      %parallel_loop3A_491 = arith.constant 32 : index
      %parallel_loop3A_492 = tpu.vector_load %arg6[%parallel_loop3A_489, %parallel_loop3A_490, %parallel_loop3A_491] {strides = array<i32>} : memref<25x8x128xi32, #tpu.memory_space<vmem>>, vector<16xi32>,
      %parallel_loop3A_493 = arith.constant 6 : i32
      %parallel_loop3A_494 = arith.index_cast %parallel_loop3A_133 : i32 to index
      %parallel_loop3A_495 = arith.index_cast %parallel_loop3A_493 : i32 to index
      %parallel_loop3A_496 = arith.constant 48 : index
      %parallel_loop3A_497 = tpu.vector_load %arg6[%parallel_loop3A_494, %parallel_loop3A_495, %parallel_loop3A_496] {strides = array<i32>} : memref<25x8x128xi32, #tpu.memory_space<vmem>>, vector<16xi32>,
      %parallel_loop3A_498 = arith.constant 6 : i32
      %parallel_loop3A_499 = arith.index_cast %parallel_loop3A_133 : i32 to index
      %parallel_loop3A_500 = arith.index_cast %parallel_loop3A_498 : i32 to index
      %parallel_loop3A_501 = arith.constant 64 : index
      %parallel_loop3A_502 = tpu.vector_load %arg6[%parallel_loop3A_499, %parallel_loop3A_500, %parallel_loop3A_501] {strides = array<i32>} : memref<25x8x128xi32, #tpu.memory_space<vmem>>, vector<16xi32>,
      %parallel_loop3A_503 = arith.constant 6 : i32
      %parallel_loop3A_504 = arith.index_cast %parallel_loop3A_133 : i32 to index
      %parallel_loop3A_505 = arith.index_cast %parallel_loop3A_503 : i32 to index
      %parallel_loop3A_506 = arith.constant 80 : index
      %parallel_loop3A_507 = tpu.vector_load %arg6[%parallel_loop3A_504, %parallel_loop3A_505, %parallel_loop3A_506] {strides = array<i32>} : memref<25x8x128xi32, #tpu.memory_space<vmem>>, vector<16xi32>,
      %parallel_loop3A_508 = arith.constant 6 : i32
      %parallel_loop3A_509 = arith.index_cast %parallel_loop3A_133 : i32 to index
      %parallel_loop3A_510 = arith.index_cast %parallel_loop3A_508 : i32 to index
      %parallel_loop3A_511 = arith.constant 96 : index
      %parallel_loop3A_512 = tpu.vector_load %arg6[%parallel_loop3A_509, %parallel_loop3A_510, %parallel_loop3A_511] {strides = array<i32>} : memref<25x8x128xi32, #tpu.memory_space<vmem>>, vector<16xi32>,
      %parallel_loop3A_513 = arith.constant 6 : i32
      %parallel_loop3A_514 = arith.index_cast %parallel_loop3A_133 : i32 to index
      %parallel_loop3A_515 = arith.index_cast %parallel_loop3A_513 : i32 to index
      %parallel_loop3A_516 = arith.constant 112 : index
      %parallel_loop3A_517 = tpu.vector_load %arg6[%parallel_loop3A_514, %parallel_loop3A_515, %parallel_loop3A_516] {strides = array<i32>} : memref<25x8x128xi32, #tpu.memory_space<vmem>>, vector<16xi32>,
      %parallel_loop3A_518 = tpu.vector_load_idx %arg5[%parallel_loop3A_482] : memref<100000xf32, #tpu.memory_space<vmem>>[vector<16xi32>], vector<16xf32>,
      %parallel_loop3A_519 = tpu.vector_load_idx %arg5[%parallel_loop3A_487] : memref<100000xf32, #tpu.memory_space<vmem>>[vector<16xi32>], vector<16xf32>,
      %parallel_loop3A_520 = tpu.vector_load_idx %arg5[%parallel_loop3A_492] : memref<100000xf32, #tpu.memory_space<vmem>>[vector<16xi32>], vector<16xf32>,
      %parallel_loop3A_521 = tpu.vector_load_idx %arg5[%parallel_loop3A_497] : memref<100000xf32, #tpu.memory_space<vmem>>[vector<16xi32>], vector<16xf32>,
      %parallel_loop3A_522 = tpu.vector_load_idx %arg5[%parallel_loop3A_502] : memref<100000xf32, #tpu.memory_space<vmem>>[vector<16xi32>], vector<16xf32>,
      %parallel_loop3A_523 = tpu.vector_load_idx %arg5[%parallel_loop3A_507] : memref<100000xf32, #tpu.memory_space<vmem>>[vector<16xi32>], vector<16xf32>,
      %parallel_loop3A_524 = tpu.vector_load_idx %arg5[%parallel_loop3A_512] : memref<100000xf32, #tpu.memory_space<vmem>>[vector<16xi32>], vector<16xf32>,
      %parallel_loop3A_525 = tpu.vector_load_idx %arg5[%parallel_loop3A_517] : memref<100000xf32, #tpu.memory_space<vmem>>[vector<16xi32>], vector<16xf32>,
      %parallel_loop3A_526 = arith.addf %parallel_loop3A_470, %parallel_loop3A_518 : vector<16xf32>
      %parallel_loop3A_527 = arith.addf %parallel_loop3A_471, %parallel_loop3A_519 : vector<16xf32>
      %parallel_loop3A_528 = arith.addf %parallel_loop3A_472, %parallel_loop3A_520 : vector<16xf32>
      %parallel_loop3A_529 = arith.addf %parallel_loop3A_473, %parallel_loop3A_521 : vector<16xf32>
      %parallel_loop3A_530 = arith.addf %parallel_loop3A_474, %parallel_loop3A_522 : vector<16xf32>
      %parallel_loop3A_531 = arith.addf %parallel_loop3A_475, %parallel_loop3A_523 : vector<16xf32>
      %parallel_loop3A_532 = arith.addf %parallel_loop3A_476, %parallel_loop3A_524 : vector<16xf32>
      %parallel_loop3A_533 = arith.addf %parallel_loop3A_477, %parallel_loop3A_525 : vector<16xf32>
      %parallel_loop3A_534 = arith.constant 7 : i32
      %parallel_loop3A_535 = arith.index_cast %parallel_loop3A_133 : i32 to index
      %parallel_loop3A_536 = arith.index_cast %parallel_loop3A_534 : i32 to index
      %parallel_loop3A_537 = arith.constant 0 : index
      %parallel_loop3A_538 = tpu.vector_load %arg6[%parallel_loop3A_535, %parallel_loop3A_536, %parallel_loop3A_537] {strides = array<i32>} : memref<25x8x128xi32, #tpu.memory_space<vmem>>, vector<16xi32>,
      %parallel_loop3A_539 = arith.constant 7 : i32
      %parallel_loop3A_540 = arith.index_cast %parallel_loop3A_133 : i32 to index
      %parallel_loop3A_541 = arith.index_cast %parallel_loop3A_539 : i32 to index
      %parallel_loop3A_542 = arith.constant 16 : index
      %parallel_loop3A_543 = tpu.vector_load %arg6[%parallel_loop3A_540, %parallel_loop3A_541, %parallel_loop3A_542] {strides = array<i32>} : memref<25x8x128xi32, #tpu.memory_space<vmem>>, vector<16xi32>,
      %parallel_loop3A_544 = arith.constant 7 : i32
      %parallel_loop3A_545 = arith.index_cast %parallel_loop3A_133 : i32 to index
      %parallel_loop3A_546 = arith.index_cast %parallel_loop3A_544 : i32 to index
      %parallel_loop3A_547 = arith.constant 32 : index
      %parallel_loop3A_548 = tpu.vector_load %arg6[%parallel_loop3A_545, %parallel_loop3A_546, %parallel_loop3A_547] {strides = array<i32>} : memref<25x8x128xi32, #tpu.memory_space<vmem>>, vector<16xi32>,
      %parallel_loop3A_549 = arith.constant 7 : i32
      %parallel_loop3A_550 = arith.index_cast %parallel_loop3A_133 : i32 to index
      %parallel_loop3A_551 = arith.index_cast %parallel_loop3A_549 : i32 to index
      %parallel_loop3A_552 = arith.constant 48 : index
      %parallel_loop3A_553 = tpu.vector_load %arg6[%parallel_loop3A_550, %parallel_loop3A_551, %parallel_loop3A_552] {strides = array<i32>} : memref<25x8x128xi32, #tpu.memory_space<vmem>>, vector<16xi32>,
      %parallel_loop3A_554 = arith.constant 7 : i32
      %parallel_loop3A_555 = arith.index_cast %parallel_loop3A_133 : i32 to index
      %parallel_loop3A_556 = arith.index_cast %parallel_loop3A_554 : i32 to index
      %parallel_loop3A_557 = arith.constant 64 : index
      %parallel_loop3A_558 = tpu.vector_load %arg6[%parallel_loop3A_555, %parallel_loop3A_556, %parallel_loop3A_557] {strides = array<i32>} : memref<25x8x128xi32, #tpu.memory_space<vmem>>, vector<16xi32>,
      %parallel_loop3A_559 = arith.constant 7 : i32
      %parallel_loop3A_560 = arith.index_cast %parallel_loop3A_133 : i32 to index
      %parallel_loop3A_561 = arith.index_cast %parallel_loop3A_559 : i32 to index
      %parallel_loop3A_562 = arith.constant 80 : index
      %parallel_loop3A_563 = tpu.vector_load %arg6[%parallel_loop3A_560, %parallel_loop3A_561, %parallel_loop3A_562] {strides = array<i32>} : memref<25x8x128xi32, #tpu.memory_space<vmem>>, vector<16xi32>,
      %parallel_loop3A_564 = arith.constant 7 : i32
      %parallel_loop3A_565 = arith.index_cast %parallel_loop3A_133 : i32 to index
      %parallel_loop3A_566 = arith.index_cast %parallel_loop3A_564 : i32 to index
      %parallel_loop3A_567 = arith.constant 96 : index
      %parallel_loop3A_568 = tpu.vector_load %arg6[%parallel_loop3A_565, %parallel_loop3A_566, %parallel_loop3A_567] {strides = array<i32>} : memref<25x8x128xi32, #tpu.memory_space<vmem>>, vector<16xi32>,
      %parallel_loop3A_569 = arith.constant 7 : i32
      %parallel_loop3A_570 = arith.index_cast %parallel_loop3A_133 : i32 to index
      %parallel_loop3A_571 = arith.index_cast %parallel_loop3A_569 : i32 to index
      %parallel_loop3A_572 = arith.constant 112 : index
      %parallel_loop3A_573 = tpu.vector_load %arg6[%parallel_loop3A_570, %parallel_loop3A_571, %parallel_loop3A_572] {strides = array<i32>} : memref<25x8x128xi32, #tpu.memory_space<vmem>>, vector<16xi32>,
      %parallel_loop3A_574 = tpu.vector_load_idx %arg5[%parallel_loop3A_538] : memref<100000xf32, #tpu.memory_space<vmem>>[vector<16xi32>], vector<16xf32>,
      %parallel_loop3A_575 = tpu.vector_load_idx %arg5[%parallel_loop3A_543] : memref<100000xf32, #tpu.memory_space<vmem>>[vector<16xi32>], vector<16xf32>,
      %parallel_loop3A_576 = tpu.vector_load_idx %arg5[%parallel_loop3A_548] : memref<100000xf32, #tpu.memory_space<vmem>>[vector<16xi32>], vector<16xf32>,
      %parallel_loop3A_577 = tpu.vector_load_idx %arg5[%parallel_loop3A_553] : memref<100000xf32, #tpu.memory_space<vmem>>[vector<16xi32>], vector<16xf32>,
      %parallel_loop3A_578 = tpu.vector_load_idx %arg5[%parallel_loop3A_558] : memref<100000xf32, #tpu.memory_space<vmem>>[vector<16xi32>], vector<16xf32>,
      %parallel_loop3A_579 = tpu.vector_load_idx %arg5[%parallel_loop3A_563] : memref<100000xf32, #tpu.memory_space<vmem>>[vector<16xi32>], vector<16xf32>,
      %parallel_loop3A_580 = tpu.vector_load_idx %arg5[%parallel_loop3A_568] : memref<100000xf32, #tpu.memory_space<vmem>>[vector<16xi32>], vector<16xf32>,
      %parallel_loop3A_581 = tpu.vector_load_idx %arg5[%parallel_loop3A_573] : memref<100000xf32, #tpu.memory_space<vmem>>[vector<16xi32>], vector<16xf32>,
      %parallel_loop3A_582 = arith.addf %parallel_loop3A_526, %parallel_loop3A_574 : vector<16xf32>
      %parallel_loop3A_583 = arith.addf %parallel_loop3A_527, %parallel_loop3A_575 : vector<16xf32>
      %parallel_loop3A_584 = arith.addf %parallel_loop3A_528, %parallel_loop3A_576 : vector<16xf32>
      %parallel_loop3A_585 = arith.addf %parallel_loop3A_529, %parallel_loop3A_577 : vector<16xf32>
      %parallel_loop3A_586 = arith.addf %parallel_loop3A_530, %parallel_loop3A_578 : vector<16xf32>
      %parallel_loop3A_587 = arith.addf %parallel_loop3A_531, %parallel_loop3A_579 : vector<16xf32>
      %parallel_loop3A_588 = arith.addf %parallel_loop3A_532, %parallel_loop3A_580 : vector<16xf32>
      %parallel_loop3A_589 = arith.addf %parallel_loop3A_533, %parallel_loop3A_581 : vector<16xf32>
      scf.yield %parallel_loop3A_582, %parallel_loop3A_583, %parallel_loop3A_584, %parallel_loop3A_585, %parallel_loop3A_586, %parallel_loop3A_587, %parallel_loop3A_588, %parallel_loop3A_589 : vector<16xf32>, vector<16xf32>, vector<16xf32>, vector<16xf32>, vector<16xf32>, vector<16xf32>, vector<16xf32>, vector<16xf32>
    } {sc.loop_unroll_factor = 1 : i64, sc.parallel_access}
    %mul3A_17 = arith.constant 5.000000e-03 : f32
    %mul3A_18 = vector.broadcast %mul3A_17 : f32 to vector<16xf32>
    %mul3A_19 = arith.mulf %parallel_loop3A_16#0, %mul3A_18 : vector<16xf32>
    %neg3A = arith.constant 0.000000e+00 : f32
    %neg3A_20 = vector.broadcast %neg3A : f32 to vector<16xf32>
    %neg3A_21 = arith.subf %neg3A_20, %mul3A_19 : vector<16xf32>
    %exp3A = math.exp %neg3A_21 : vector<16xf32>
    %add3A_22 = arith.constant 1.000000e+00 : f32
    %add3A_23 = vector.broadcast %add3A_22 : f32 to vector<16xf32>
    %add3A_24 = arith.addf %add3A_23, %exp3A : vector<16xf32>
    %div3A = arith.constant 1.000000e+00 : f32
    %div3A_25 = vector.broadcast %div3A : f32 to vector<16xf32>
    %div3A_26 = arith.divf %div3A_25, %add3A_24 : vector<16xf32>
    %swap3A = arith.constant 0 : index
    %swap3A_27 = tpu.vector_load %arg7[%swap3A] {strides = array<i32>} : memref<128xf32, #tpu.memory_space<vmem>>, vector<16xf32>,
    tpu.vector_store %arg7[%swap3A], %div3A_26 {strides = array<i32>} : memref<128xf32, #tpu.memory_space<vmem>>, vector<16xf32>,
    %mul3A_28 = arith.constant 5.000000e-03 : f32
    %mul3A_29 = vector.broadcast %mul3A_28 : f32 to vector<16xf32>
    %mul3A_30 = arith.mulf %parallel_loop3A_16#1, %mul3A_29 : vector<16xf32>
    %neg3A_31 = arith.constant 0.000000e+00 : f32
    %neg3A_32 = vector.broadcast %neg3A_31 : f32 to vector<16xf32>
    %neg3A_33 = arith.subf %neg3A_32, %mul3A_30 : vector<16xf32>
    %exp3A_34 = math.exp %neg3A_33 : vector<16xf32>
    %add3A_35 = arith.constant 1.000000e+00 : f32
    %add3A_36 = vector.broadcast %add3A_35 : f32 to vector<16xf32>
    %add3A_37 = arith.addf %add3A_36, %exp3A_34 : vector<16xf32>
    %div3A_38 = arith.constant 1.000000e+00 : f32
    %div3A_39 = vector.broadcast %div3A_38 : f32 to vector<16xf32>
    %div3A_40 = arith.divf %div3A_39, %add3A_37 : vector<16xf32>
    %swap3A_41 = arith.constant 16 : index
    %swap3A_42 = tpu.vector_load %arg7[%swap3A_41] {strides = array<i32>} : memref<128xf32, #tpu.memory_space<vmem>>, vector<16xf32>,
    tpu.vector_store %arg7[%swap3A_41], %div3A_40 {strides = array<i32>} : memref<128xf32, #tpu.memory_space<vmem>>, vector<16xf32>,
    %mul3A_43 = arith.constant 5.000000e-03 : f32
    %mul3A_44 = vector.broadcast %mul3A_43 : f32 to vector<16xf32>
    %mul3A_45 = arith.mulf %parallel_loop3A_16#2, %mul3A_44 : vector<16xf32>
    %neg3A_46 = arith.constant 0.000000e+00 : f32
    %neg3A_47 = vector.broadcast %neg3A_46 : f32 to vector<16xf32>
    %neg3A_48 = arith.subf %neg3A_47, %mul3A_45 : vector<16xf32>
    %exp3A_49 = math.exp %neg3A_48 : vector<16xf32>
    %add3A_50 = arith.constant 1.000000e+00 : f32
    %add3A_51 = vector.broadcast %add3A_50 : f32 to vector<16xf32>
    %add3A_52 = arith.addf %add3A_51, %exp3A_49 : vector<16xf32>
    %div3A_53 = arith.constant 1.000000e+00 : f32
    %div3A_54 = vector.broadcast %div3A_53 : f32 to vector<16xf32>
    %div3A_55 = arith.divf %div3A_54, %add3A_52 : vector<16xf32>
    %swap3A_56 = arith.constant 32 : index
    %swap3A_57 = tpu.vector_load %arg7[%swap3A_56] {strides = array<i32>} : memref<128xf32, #tpu.memory_space<vmem>>, vector<16xf32>,
    tpu.vector_store %arg7[%swap3A_56], %div3A_55 {strides = array<i32>} : memref<128xf32, #tpu.memory_space<vmem>>, vector<16xf32>,
    %mul3A_58 = arith.constant 5.000000e-03 : f32
    %mul3A_59 = vector.broadcast %mul3A_58 : f32 to vector<16xf32>
    %mul3A_60 = arith.mulf %parallel_loop3A_16#3, %mul3A_59 : vector<16xf32>
    %neg3A_61 = arith.constant 0.000000e+00 : f32
    %neg3A_62 = vector.broadcast %neg3A_61 : f32 to vector<16xf32>
    %neg3A_63 = arith.subf %neg3A_62, %mul3A_60 : vector<16xf32>
    %exp3A_64 = math.exp %neg3A_63 : vector<16xf32>
    %add3A_65 = arith.constant 1.000000e+00 : f32
    %add3A_66 = vector.broadcast %add3A_65 : f32 to vector<16xf32>
    %add3A_67 = arith.addf %add3A_66, %exp3A_64 : vector<16xf32>
    %div3A_68 = arith.constant 1.000000e+00 : f32
    %div3A_69 = vector.broadcast %div3A_68 : f32 to vector<16xf32>
    %div3A_70 = arith.divf %div3A_69, %add3A_67 : vector<16xf32>
    %swap3A_71 = arith.constant 48 : index
    %swap3A_72 = tpu.vector_load %arg7[%swap3A_71] {strides = array<i32>} : memref<128xf32, #tpu.memory_space<vmem>>, vector<16xf32>,
    tpu.vector_store %arg7[%swap3A_71], %div3A_70 {strides = array<i32>} : memref<128xf32, #tpu.memory_space<vmem>>, vector<16xf32>,
    %mul3A_73 = arith.constant 5.000000e-03 : f32
    %mul3A_74 = vector.broadcast %mul3A_73 : f32 to vector<16xf32>
    %mul3A_75 = arith.mulf %parallel_loop3A_16#4, %mul3A_74 : vector<16xf32>
    %neg3A_76 = arith.constant 0.000000e+00 : f32
    %neg3A_77 = vector.broadcast %neg3A_76 : f32 to vector<16xf32>
    %neg3A_78 = arith.subf %neg3A_77, %mul3A_75 : vector<16xf32>
    %exp3A_79 = math.exp %neg3A_78 : vector<16xf32>
    %add3A_80 = arith.constant 1.000000e+00 : f32
    %add3A_81 = vector.broadcast %add3A_80 : f32 to vector<16xf32>
    %add3A_82 = arith.addf %add3A_81, %exp3A_79 : vector<16xf32>
    %div3A_83 = arith.constant 1.000000e+00 : f32
    %div3A_84 = vector.broadcast %div3A_83 : f32 to vector<16xf32>
    %div3A_85 = arith.divf %div3A_84, %add3A_82 : vector<16xf32>
    %swap3A_86 = arith.constant 64 : index
    %swap3A_87 = tpu.vector_load %arg7[%swap3A_86] {strides = array<i32>} : memref<128xf32, #tpu.memory_space<vmem>>, vector<16xf32>,
    tpu.vector_store %arg7[%swap3A_86], %div3A_85 {strides = array<i32>} : memref<128xf32, #tpu.memory_space<vmem>>, vector<16xf32>,
    %mul3A_88 = arith.constant 5.000000e-03 : f32
    %mul3A_89 = vector.broadcast %mul3A_88 : f32 to vector<16xf32>
    %mul3A_90 = arith.mulf %parallel_loop3A_16#5, %mul3A_89 : vector<16xf32>
    %neg3A_91 = arith.constant 0.000000e+00 : f32
    %neg3A_92 = vector.broadcast %neg3A_91 : f32 to vector<16xf32>
    %neg3A_93 = arith.subf %neg3A_92, %mul3A_90 : vector<16xf32>
    %exp3A_94 = math.exp %neg3A_93 : vector<16xf32>
    %add3A_95 = arith.constant 1.000000e+00 : f32
    %add3A_96 = vector.broadcast %add3A_95 : f32 to vector<16xf32>
    %add3A_97 = arith.addf %add3A_96, %exp3A_94 : vector<16xf32>
    %div3A_98 = arith.constant 1.000000e+00 : f32
    %div3A_99 = vector.broadcast %div3A_98 : f32 to vector<16xf32>
    %div3A_100 = arith.divf %div3A_99, %add3A_97 : vector<16xf32>
    %swap3A_101 = arith.constant 80 : index
    %swap3A_102 = tpu.vector_load %arg7[%swap3A_101] {strides = array<i32>} : memref<128xf32, #tpu.memory_space<vmem>>, vector<16xf32>,
    tpu.vector_store %arg7[%swap3A_101], %div3A_100 {strides = array<i32>} : memref<128xf32, #tpu.memory_space<vmem>>, vector<16xf32>,
    %mul3A_103 = arith.constant 5.000000e-03 : f32
    %mul3A_104 = vector.broadcast %mul3A_103 : f32 to vector<16xf32>
    %mul3A_105 = arith.mulf %parallel_loop3A_16#6, %mul3A_104 : vector<16xf32>
    %neg3A_106 = arith.constant 0.000000e+00 : f32
    %neg3A_107 = vector.broadcast %neg3A_106 : f32 to vector<16xf32>
    %neg3A_108 = arith.subf %neg3A_107, %mul3A_105 : vector<16xf32>
    %exp3A_109 = math.exp %neg3A_108 : vector<16xf32>
    %add3A_110 = arith.constant 1.000000e+00 : f32
    %add3A_111 = vector.broadcast %add3A_110 : f32 to vector<16xf32>
    %add3A_112 = arith.addf %add3A_111, %exp3A_109 : vector<16xf32>
    %div3A_113 = arith.constant 1.000000e+00 : f32
    %div3A_114 = vector.broadcast %div3A_113 : f32 to vector<16xf32>
    %div3A_115 = arith.divf %div3A_114, %add3A_112 : vector<16xf32>
    %swap3A_116 = arith.constant 96 : index
    %swap3A_117 = tpu.vector_load %arg7[%swap3A_116] {strides = array<i32>} : memref<128xf32, #tpu.memory_space<vmem>>, vector<16xf32>,
    tpu.vector_store %arg7[%swap3A_116], %div3A_115 {strides = array<i32>} : memref<128xf32, #tpu.memory_space<vmem>>, vector<16xf32>,
    %mul3A_118 = arith.constant 5.000000e-03 : f32
    %mul3A_119 = vector.broadcast %mul3A_118 : f32 to vector<16xf32>
    %mul3A_120 = arith.mulf %parallel_loop3A_16#7, %mul3A_119 : vector<16xf32>
    %neg3A_121 = arith.constant 0.000000e+00 : f32
    %neg3A_122 = vector.broadcast %neg3A_121 : f32 to vector<16xf32>
    %neg3A_123 = arith.subf %neg3A_122, %mul3A_120 : vector<16xf32>
    %exp3A_124 = math.exp %neg3A_123 : vector<16xf32>
    %add3A_125 = arith.constant 1.000000e+00 : f32
    %add3A_126 = vector.broadcast %add3A_125 : f32 to vector<16xf32>
    %add3A_127 = arith.addf %add3A_126, %exp3A_124 : vector<16xf32>
    %div3A_128 = arith.constant 1.000000e+00 : f32
    %div3A_129 = vector.broadcast %div3A_128 : f32 to vector<16xf32>
    %div3A_130 = arith.divf %div3A_129, %add3A_127 : vector<16xf32>
    %swap3A_131 = arith.constant 112 : index
    %swap3A_132 = tpu.vector_load %arg7[%swap3A_131] {strides = array<i32>} : memref<128xf32, #tpu.memory_space<vmem>>, vector<16xf32>,
    tpu.vector_store %arg7[%swap3A_131], %div3A_130 {strides = array<i32>} : memref<128xf32, #tpu.memory_space<vmem>>, vector<16xf32>,
    "tpu.region"() ({
      %run_scoped3A = tpu.sem_alloc : memref<!tpu.dma_semaphore, #tpu.memory_space<semaphore_mem>>
      %dma_start3A_133 = tpu.memref_slice %arg4[%mul3A_2] : memref<4096xf32, #tpu.memory_space<hbm>> -> memref<128xf32, #tpu.memory_space<hbm>>
      %dma_start3A_134 = tpu.memref_slice %arg4[%mul3A_2] : memref<4096xf32, #tpu.memory_space<hbm>> -> memref<128xf32, #tpu.memory_space<hbm>>
      tpu.enqueue_dma source(%arg7 : memref<128xf32, #tpu.memory_space<vmem>>) target(%dma_start3A_134 : memref<128xf32, #tpu.memory_space<hbm>>) target_semaphore(%run_scoped3A : memref<!tpu.dma_semaphore, #tpu.memory_space<semaphore_mem>>)
      %dma_wait3A_135 = tpu.memref_slice %arg4[%mul3A_2] : memref<4096xf32, #tpu.memory_space<hbm>> -> memref<128xf32, #tpu.memory_space<hbm>>
      %dma_wait3A_136 = tpu.memref_slice %arg4[%mul3A_2] : memref<4096xf32, #tpu.memory_space<hbm>> -> memref<128xf32, #tpu.memory_space<hbm>>
      tpu.wait_dma2 semaphore(%run_scoped3A : memref<!tpu.dma_semaphore, #tpu.memory_space<semaphore_mem>>) src(%arg7 : memref<128xf32, #tpu.memory_space<vmem>>) dst(%dma_wait3A_136 : memref<128xf32, #tpu.memory_space<hbm>>)
      tpu.yield
    }) : () -> ()
    return
  }
}

module attributes {stable_mosaic.version = 14 : i64} {
  func.func @_score_body(%arg0: i32, %arg1: memref<64x25600xf32, #tpu.memory_space<vmem>>, %arg2: memref<1x64xf32, #tpu.memory_space<vmem>>, %arg3: memref<1xf32, #tpu.memory_space<smem>>, %arg4: memref<25600xf32, #tpu.memory_space<vmem>>) attributes {dimension_semantics = [#tpu.dimension_semantics<arbitrary>], iteration_bounds = array<i64: 4>, scalar_prefetch = 0 : i64, scratch_operands = 0 : i64, tpu.core_type = #tpu.core_type<tc>, window_params = [{transform_indices = @transform_0, window_bounds = array<i64: 64, 25600>}, {pipeline_mode = #tpu.pipeline_mode<synchronous>, transform_indices = @transform_1, window_bounds = array<i64: 1, 64>}, {transform_indices = @transform_2, window_bounds = array<i64: 1>}, {transform_indices = @transform_3, window_bounds = array<i64: 25600>}]} {
    %get3A = arith.constant 0 : index
    %get3A_0 = arith.constant 0 : index
    %get3A_1 = vector.load %arg1[%get3A, %get3A_0] : memref<64x25600xf32, #tpu.memory_space<vmem>>, vector<64x25600xf32>
    %get3A_2 = arith.constant 0 : index
    %get3A_3 = arith.constant 0 : index
    %get3A_4 = vector.load %arg2[%get3A_2, %get3A_3] : memref<1x64xf32, #tpu.memory_space<vmem>>, vector<1x64xf32>
    %dot_general3A = arith.constant dense<0.000000e+00> : vector<1x25600xf32>
    %dot_general3A_5 = tpu.matmul %get3A_4, %get3A_1, %dot_general3A {dimension_numbers = #tpu.dot_dimension_numbers<[1], [0], [0], [1], [0, 0, 1, 1], [], []>, transpose_lhs_hint = false} : vector<1x64xf32>, vector<64x25600xf32>, vector<1x25600xf32> -> vector<1x25600xf32>
    %squeeze3A = vector.shape_cast %dot_general3A_5 : vector<1x25600xf32> to vector<25600xf32>
    %get3A_6 = arith.constant 0 : index
    %get3A_7 = memref.load %arg3[%get3A_6] : memref<1xf32, #tpu.memory_space<smem>>
    %add3A = vector.broadcast %get3A_7 : f32 to vector<25600xf32>
    %add3A_8 = arith.addf %squeeze3A, %add3A : vector<25600xf32>
    %swap3A = arith.constant 0 : index
    %swap3A_9 = vector.load %arg4[%swap3A] : memref<25600xf32, #tpu.memory_space<vmem>>, vector<25600xf32>
    tpu.vector_store %arg4[%swap3A], %add3A_8 {strides = array<i32>} : memref<25600xf32, #tpu.memory_space<vmem>>, vector<25600xf32>,
    return
  }
  func.func @transform_0(%arg0: i32) -> (i32, i32) {
    %c0_i32 = arith.constant 0 : i32
    %c0_i32_0 = arith.constant 0 : i32
    return %c0_i32, %arg0 : i32, i32
  }
  func.func @transform_1(%arg0: i32) -> (i32, i32) {
    %c0_i32 = arith.constant 0 : i32
    %c0_i32_0 = arith.constant 0 : i32
    %c0_i32_1 = arith.constant 0 : i32
    return %c0_i32, %c0_i32_0 : i32, i32
  }
  func.func @transform_2(%arg0: i32) -> i32 {
    %c0_i32 = arith.constant 0 : i32
    %c0_i32_0 = arith.constant 0 : i32
    return %c0_i32 : i32
  }
  func.func @transform_3(%arg0: i32) -> i32 {
    %c0_i32 = arith.constant 0 : i32
    return %arg0 : i32
  }
}

</mosaic_0001>

<sc_bundles>
// kernel: kernel.4.cloned.1.call-start
scs
__scs_entry_jumppad:
0x0: {  	(pc) =	sbr.rel $0x88, $3  }
0x1: {  	(tag) =	ssettag $0x0;
	lr =	simm.s32 $0x1  }
0x2: {  	[smem:$0x3F9D] =	sst lr;
	_ =	strace $0xD0000000  }
0x3: {  	_ = 	snop  }
0x4: {  	_ = 	snop  }
0x5: {  	_ = 	snop  }
0x6: {  	_ = 	snop  }
0x7: {  	_ = 	snop  }
__scs_overlays_trampoline_lowered:
0x8: {  	[smem:$0x3FAC] =	sst s0  }
0x9: {  	[smem:$0x3FAD] =	sst s1  }
0xa: {  	[smem:$0x3FAE] =	sst s2  }
0xb: {  	[smem:$0x3FAF] =	sst s3  }
0xc: {  	[smem:$0x3FB0] =	sst s4  }
0xd: {  	[smem:$0x3FB1] =	sst s5  }
0xe: {  	[smem:$0x3FB2] =	sst s6  }
0xf: {  	[smem:$0x3FB3] =	sst s7  }
0x10: {  	[smem:$0x3FB4] =	sst s8  }
0x11: {  	[smem:$0x3FB5] =	sst s9;
	s0 =	simm.s32 @!p0 $0x0  }
0x12: {  	s1 =	sld [smem:$0x3F9B];
	s0 =	simm.s32 @p0 $0x1  }
0x13: {  	[smem:$0x3FB6] =	sst s0;
	s0 =	simm.s32 @!p1 $0x0  }
0x14: {  	s2 =	sld [smem:$0x3F9A];
	s0 =	simm.s32 @p1 $0x1  }
0x15: {  	[smem:$0x3FB7] =	sst s0;
	s0 =	simm.s32 @!p2 $0x0  }
0x16: {  	s3 =	sld [smem:$0x3FDB];
	s0 =	simm.s32 @p2 $0x1  }
0x17: {  	s4 =	simm.s32 $0x1BF5;
	[smem:$0x3FB9] =	sst s0  }
0x18: {  	s0 =	sld [smem:$0x3F9C];
	_ =	swait.ge [sflag:s4], $0x0  }
0x19: {  	s7 =	sld [smem:$0x3F9D]  }
0x1a: {  	s8 =	sadd.s32 $0xFFFFE003, lr  }
0x1b: {  	s9 =	sadd.s32 $0xFFFFFEF7, lr;
	s5 =	simm.s32 $0xFFFFFFFF;
	p2 =	slt.u32 s8, $0xFFFFF086  }
0x1c: {  	p1 =	slt.u32 s9, $0xF7A;
	s5 =	simm.s32 @!p2 $0x0  }
0x1d: {  	s5 =	simm.s32 @p1 $0x1;
	p0 =	seq.s32 s7, s2  }
0x1e: {  	s7 =	smul.u32 @!p0 $0xF7A, s2;
	p2 =	seq.s32 @!p0 s5, $0x0  }
0x1f: {  	s9 =	smul.u32 $0xF7A, s1;
	s8 =	simm.s32 @!p0 $0x1BF5;
	p2 =	por !p2, p0  }
0x20: {  	[sflag:s8] =	ssyncset.s32 @!p0 $0xFFFFF086;
	s6 =	sadd.s32 @!p0 s3, s7;
	s7 =	simm.s32 @!p0 $0x108  }
0x21: {  	s3 =	sadd.s32 s3, s9;
	s6 =	sadd.s32 @!p0 $0x88, s6;
	s7 =	simm.s32 @p2 $0x1082  }
0x22: {  	[simem:s7], [sflag:s8] =	dma.local @!p0 [hbm:s6], $0xF7A  }
0x23: {  	s9 =	sor.u32 $0xD0000000, s2;
	s6 =	simm.s32 $0x108;
	_ =	swait.ge @!p0 [sflag:s8], $0x0  }
0x24: {  	s3 =	sadd.s32 $0x88, s3;
	s6 =	simm.s32 @!p1 $0x1082;
	[sflag:s4] =	ssyncset.s32 $0xFFFFF086  }
0x25: {  	[simem:s6], [sflag:s4] =	dma.local [hbm:s3], $0xF7A  }
0x26: {  	[smem:$0x3F9D] =	sst s1;
	(tag) =	ssettag s2;
	_ =	strace s9  }
0x27: {  	s1 =	sld [smem:$0x3FAD]  }
0x28: {  	s2 =	sld [smem:$0x3FAE]  }
0x29: {  	s4 =	sld [smem:$0x3FB0]  }
0x2a: {  	p0 =	seq.s32 s5, $0x0;
	s5 =	sld [smem:$0x3FB1]  }
0x2b: {  	s6 =	sld [smem:$0x3FB2]  }
0x2c: {  	s7 =	sld [smem:$0x3FB3]  }
0x2d: {  	s3 =	simm.s32 $0x108;
	s8 =	sld [smem:$0x3FB4]  }
0x2e: {  	s3 =	simm.s32 @!p0 $0x1082;
	s9 =	sld [smem:$0x3FB5]  }
0x2f: {  	lr =	sadd.s32 s0, s3;
	s0 =	sld [smem:$0x3FAC]  }
0x30: {  	s3 =	sld [smem:$0x3FAF]  }
0x31: {  	[smem:$0x3FB8] =	sst s10  }
0x32: {  	s10 =	sld [smem:$0x3FB6];
	_ =	sdelay $0x3  }
0x33: {  	p0 =	seq.s32 s10, $0x1;
	s10 =	sld [smem:$0x3FB8];
	_ =	sdelay $0x3  }
0x34: {  	[smem:$0x3FB8] =	sst s10  }
0x35: {  	s10 =	sld [smem:$0x3FB7];
	_ =	sdelay $0x3  }
0x36: {  	p1 =	seq.s32 s10, $0x1;
	s10 =	sld [smem:$0x3FB8];
	_ =	sdelay $0x3  }
0x37: {  	[smem:$0x3FB8] =	sst s10  }
0x38: {  	s10 =	sld [smem:$0x3FB9]  }
0x39: {  	_ = 	snop;
	(pc) =	sbr.ind lr, $3  }
0x3a: {  	_ = 	snop  }
0x3b: {  	_ = 	snop  }
0x3c: {  	p2 =	seq.s32 s10, $0x1;
	s10 =	sld [smem:$0x3FB8]  }
0x3d: {  	_ =	shalt  }
0x3e: {  	_ =	shalt  }
0x3f: {  	_ =	shalt  }
0x40: {  	_ =	shalt  }
0x41: {  	_ =	shalt  }
0x42: {  	_ =	shalt  }
0x43: {  	_ =	shalt  }
0x44: {  	_ =	shalt  }
0x45: {  	_ =	shalt  }
0x46: {  	_ =	shalt  }
0x47: {  	_ =	shalt  }
0x48: {  	_ =	shalt  }
0x49: {  	_ =	shalt  }
0x4a: {  	_ =	shalt  }
0x4b: {  	_ =	shalt  }
0x4c: {  	_ =	shalt  }
0x4d: {  	_ =	shalt  }
0x4e: {  	_ =	shalt  }
0x4f: {  	_ =	shalt  }
0x50: {  	_ =	shalt  }
0x51: {  	_ =	shalt  }
0x52: {  	_ =	shalt  }
0x53: {  	_ =	shalt  }
0x54: {  	_ =	shalt  }
0x55: {  	_ =	shalt  }
0x56: {  	_ =	shalt  }
0x57: {  	_ =	shalt  }
0x58: {  	_ =	shalt  }
0x59: {  	_ =	shalt  }
0x5a: {  	_ =	shalt  }
0x5b: {  	_ =	shalt  }
0x5c: {  	_ =	shalt  }
0x5d: {  	_ =	shalt  }
0x5e: {  	_ =	shalt  }
0x5f: {  	_ =	shalt  }
0x60: {  	_ =	shalt  }
0x61: {  	_ =	shalt  }
0x62: {  	_ =	shalt  }
0x63: {  	_ =	shalt  }
0x64: {  	_ =	shalt  }
0x65: {  	_ =	shalt  }
0x66: {  	_ =	shalt  }
0x67: {  	_ =	shalt  }
0x68: {  	_ =	shalt  }
0x69: {  	_ =	shalt  }
0x6a: {  	_ =	shalt  }
0x6b: {  	_ =	shalt  }
0x6c: {  	_ =	shalt  }
0x6d: {  	_ =	shalt  }
0x6e: {  	_ =	shalt  }
0x6f: {  	_ =	shalt  }
0x70: {  	_ =	shalt  }
0x71: {  	_ =	shalt  }
0x72: {  	_ =	shalt  }
0x73: {  	_ =	shalt  }
0x74: {  	_ =	shalt  }
0x75: {  	_ =	shalt  }
0x76: {  	_ =	shalt  }
0x77: {  	_ =	shalt  }
0x78: {  	_ =	shalt  }
0x79: {  	_ =	shalt  }
0x7a: {  	_ =	shalt  }
0x7b: {  	_ =	shalt  }
0x7c: {  	_ =	shalt  }
0x7d: {  	_ =	shalt  }
0x7e: {  	_ =	shalt  }
0x7f: {  	_ =	shalt  }
0x80: {  	_ =	shalt  }
0x81: {  	_ =	shalt  }
0x82: {  	_ =	shalt  }
0x83: {  	_ =	shalt  }
0x84: {  	_ =	shalt  }
0x85: {  	_ =	shalt  }
0x86: {  	_ =	shalt  }
0x87: {  	_ =	shalt  }
.Lfunc_end0:
.L_simem_size_0:
called_computation_lowered:
.L_overlay_start_0:
0x88: {  	s2 =	sld [smem:$0x3FD9]  }
0x89: {  	s3 =	sld [smem:$0x3FFE];
	_ =	sdelay $0x1  }
0x8a: {  	s1 =	srdreg.scid  }
0x8b: {  	s0 =	sand.u32 $0x1, s1  }
0x8c: {  	s17 =	sshll.u32 s0, $0xA;
	s2 =	sadd.s32 s3, s2  }
0x8d: {  	s2 =	sadd.s32 s2, s17  }
0x8e: {  	[smem:$0x3FC4] =	sst s2  }
0x8f: {  	_ = 	snop  }
0x90: {  	s2 =	sld [smem:$0x3FC9]  }
0x91: {  	s18 =	sld [smem:$0x3FD0];
	(tm) =	ssettm $0x1  }
0x92: {  	s4 =	sld [smem:$0x3FFB];
	_ =	sdelay $0x3  }
0x93: {  	_ =	strace s4  }
0x94: {  	s4 =	sld [smem:$0x3FFC];
	_ =	sdelay $0x3  }
0x95: {  	_ =	strace s4  }
0x96: {  	s4 =	sld [smem:$0x3FFD];
	_ =	sdelay $0x3  }
0x97: {  	_ =	strace s4  }
0x98: {  	_ =	strace $0x8FFFFFFF  }
0x99: {  	s19 =	sld [smem:$0x3FDB];
	_ =	sdelay $0x1  }
0x9a: {  	s5 =	simm.s32 $_scs_section_size  }
0x9b: {  	s6 =	simm.s32 $_size__tile_overlayer_lowered;
	s7 =	simm.s32 $_tile_overlayer_lowered  }
0x9c: {  	s22 =	simm.s32 $0x1BFF;
	s21 =	sshll.u32 s7, $0x1;
	s4 =	sadd.s32 s5, s19  }
0x9d: {  	s8 =	simm.s32 $0x0;
	s20 =	sshll.u32 s6, $0x1;
	s6 =	sadd.s32 s21, s4  }
0x9e: {  	[timem:s8], [sflag:s22] =	dma.local [hbm:s6], s20  }
0x9f: {  	_ =	swait.ge [sflag:s22], s20  }
0xa0: {  	s5 =	ssub.s32 $0x0, s20;
	[sflag:s22] =	ssyncset.done $0x0  }
0xa1: {  	[sflag:s22] =	ssyncadd.s32 s5;
	_ =	sdelay $0x1  }
0xa2: {  	s23 =	simm.s32 $0x1B8B  }
0xa3: {  	_ =	swait.ge [sflag:s23], $0x1  }
0xa4: {  	[sflag:s23] =	ssyncset.done $0x0  }
0xa5: {  	s25 =	simm.s32 $0x1B8E;
	s24 =	sld [smem:$0x3FFE];
	[sflag:s23] =	ssyncadd.s32 $0xFFFFFFFF  }
0xa6: {  	s26 =	simm.s32 $execute0_lowered;
	[smem:$0x3FD2] =	sst s25  }
0xa7: {  	s6 =	sshll.u32 s26, $0x1;
	_ =	strace $0x80000046;
	[dreg:$0x1] =	wrdreg $0xFFFFFFFF  }
0xa8: {  	s28 =	simm.s32 $_size_execute0_lowered;
	s4 =	sadd.s32 s4, s6;
	[dreg:$0x0] =	wrdreg $0x0  }
0xa9: {  	s6 =	sshll.u32 s28, $0x1;
	[dreg:$0x2] =	wrdreg s4  }
0xaa: {  	[dreg:$0x3] =	wrdreg s6  }
0xab: {  	[dreg:$0x4] =	wrdreg $0xC0  }
0xac: {  	_ =	task [dreg:s8], $0x5FFFF  }
0xad: {  	[dreg:$0x1] =	wrdreg $0xFFFFFFFF  }
0xae: {  	[dreg:$0x0] =	wrdreg $0x60  }
0xaf: {  	[dreg:$0x2] =	wrdreg s24  }
0xb0: {  	[dreg:$0x3] =	wrdreg s2  }
0xb1: {  	[dreg:$0x4] =	wrdreg s18  }
0xb2: {  	[dreg:$0x5] =	wrdreg $0x9  }
0xb3: {  	_ =	task.clear_ibuf [dreg:s8], $0x6FFFF;
	_ =	strace $0x90000046  }
0xb4: {  	s29 =	simm.s32 $0x9;
	_ =	strace $0x80000048  }
0xb5: {  	_ =	swait.ge [sflag:s29], $0x1  }
0xb6: {  	[sflag:s29] =	ssyncadd.s32 $0xFFFFFFFF  }
0xb7: {  	_ =	strace $0x90000048  }
0xb8: {  	_ =	sfence  }
0xb9: {  	s30 =	sld [smem:$0x0];
	_ =	sdelay $0x2  }
0xba: {  	s31 =	sshll.u32 s1, $0xD;
	s1 =	sshrl.u32 s1, $0x2  }
0xbb: {  	s3 =	sand.u32 $0x4000, s31;
	s1 =	sadd.s32 s1, s30  }
0xbc: {  	s0 =	sor.u32 s3, s0;
	s1 =	sshll.u32 s1, $0x11  }
0xbd: {  	s0 =	sor.u32 s1, s0  }
0xbe: {  	s0 =	sadd.s32 $0x8F2B, s0  }
0xbf: {  	[sflag:s0] =	ssyncadd.remote.s32 $0x1  }
0xc0: {  	_ =	sfence.sel $0xFFFF  }
0xc1: {  	[dreg:$0x0] =	wrdreg $0xFFFFFFFF;
	(pc) =	sbr.abs _section_cstart, $3  }
0xc2: {  	[dreg:$0x1] =	wrdreg $0xFFFFFFFF  }
0xc3: {  	_ =	task.clear_ibuf [dreg:s8], $0x2FFFF;
	_ =	strace $0x9FFFFFFF  }
0xc4: {  	(tm) =	ssettm $0x7FFFFFFF  }
0xc5: {  	_ =	shalt  }
tec
execute0_lowered:
.L_overlay_start_1:
0x0: {  	(tag) =	ssettag $0x1  }
0x1: {  	s3 =	rddreg [dreg:$0x0]  }
0x2: {  	s4 =	rddreg [dreg:$0x1]  }
0x3: {  	s5 =	rddreg [dreg:$0x2]  }
0x4: {  	s0 =	rddreg [dreg:$0x3];
	s2 =	simm.s32 $0x0  }
0x5: {  	s6 =	srdreg.scid;
	s1 =	stileid.u32;
	s10 =	simm.s32 $0x1  }
0x6: {  	s11 =	simm.s32 $0x2;
	s12 =	simm.s32 $0x1EB00;
	s13 =	simm.s32 $0x3  }
0x7: {  	s14 =	simm.s32 $0x0;
	[smem:$0x7FF] =	sst s2;
	s6 =	sand.u32 $0x1, s6  }
0x8: {  	s7 =	sshll.u32 s1, $0x1;
	s3 =	sadd.s32 $0x800, s3;
	s8 =	ssub.s32 $0x2, s6  }
0x9: {  	_ =	strace $0x80000047;
	s6 =	sor.u32 s6, s7;
	s31 =	sshrl.u32 s8, $0x1  }
0xa: {  	s9 =	sshll.u32 s6, $0x7;
	s6 =	sshll.u32 s6, $0x4;
	s7 =	ssub.s32 s8, s31  }
0xb: {  	s4 =	sadd.s32 s4, s9;
	s5 =	sadd.s32 s5, s6;
	s8 =	simm.s32 $0x8000  }
0xc: {  	s9 =	simm.s32 $0x18700;
	s6 =	smax.u32 s7, $0x1;
	s7 =	simm.s32 $0x400  }
.LBB2_1:
0xd: {  	[tilespmem:s2], [sflag:$0x1] =	stream.linear.gather [hbm4b:s3+s2], $0x18700, $0x38;
	[tilespmem:$0x1EB80] =	vst v63  }
0xe: {  	_ = 	snop  }
0xf: {  	[tilespmem:s9], [sflag:$0x2] =	stream.strided.gather [hbm4b:s4+s7], $0x6400, s8, s7, $0x38;
	[tilespmem:$0x1EB80] =	vst v63  }
0x10: {  	_ =	swait.ge [sflag:s10], $0x18700  }
0x11: {  	[sflag:s10] =	ssyncset.done $0x0  }
0x12: {  	[sflag:s10] =	ssyncadd.s32 $0xFFFE7900  }
0x13: {  	_ =	swait.ge [sflag:s11], $0x6400  }
0x14: {  	[sflag:s11] =	ssyncset.done $0x0  }
0x15: {  	s15 =	simm.s32 $0x0;
	[sflag:s11] =	ssyncadd.s32 $0xFFFF9C00  }
0x16: {  	v15 =	vld [tilespmem:s15+$0x18A80]  }
0x17: {  	v0 =	vld [tilespmem:s15+$0x18AE0]  }
0x18: {  	v18 =	vld [tilespmem:s15+$0x18A90]  }
0x19: {  	v37 =	vld [tilespmem:s15+$0x18AA0]  }
0x1a: {  	v41 =	vld [tilespmem:s15+$0x18AB0]  }
0x1b: {  	v44 =	vld [tilespmem:s15+$0x18AC0]  }
0x1c: {  	v45 =	vld [tilespmem:s15+$0x18AD0];
	[tilespmem:$0x1FF60] =	vst v0  }
0x1d: {  	v0 =	vld [tilespmem:s15+$0x18AF0];
	_ =	sdelay $0x4  }
0x1e: {  	[tilespmem:$0x1FF70] =	vst v0  }
0x1f: {  	v19 =	vld [tilespmem:s15+$0x18A00]  }
0x20: {  	v0 =	vld [tilespmem:s15+$0x18A60]  }
0x21: {  	v3 =	vld [tilespmem:s15+$0x18A10]  }
0x22: {  	v24 =	vld [tilespmem:s15+$0x18A20]  }
0x23: {  	v48 =	vld [tilespmem:s15+$0x18A30]  }
0x24: {  	v49 =	vld [tilespmem:s15+$0x18A40]  }
0x25: {  	v52 =	vld [tilespmem:s15+$0x18A50];
	[tilespmem:$0x1FF80] =	vst v0  }
0x26: {  	v0 =	vld [tilespmem:s15+$0x18A70];
	_ =	sdelay $0x4  }
0x27: {  	[tilespmem:$0x1FF90] =	vst v0  }
0x28: {  	v55 =	vld [tilespmem:s15+$0x18980]  }
0x29: {  	v0 =	vld [tilespmem:s15+$0x189E0]  }
0x2a: {  	v32 =	vld [tilespmem:s15+$0x18990]  }
0x2b: {  	v56 =	vld [tilespmem:s15+$0x189A0]  }
0x2c: {  	v34 =	vld [tilespmem:s15+$0x189B0]  }
0x2d: {  	v38 =	vld [tilespmem:s15+$0x189C0]  }
0x2e: {  	v50 =	vld [tilespmem:s15+$0x189D0];
	[tilespmem:$0x1FFA0] =	vst v0  }
0x2f: {  	v0 =	vld [tilespmem:s15+$0x189F0];
	_ =	sdelay $0x4  }
0x30: {  	[tilespmem:$0x1FFB0] =	vst v0  }
0x31: {  	v51 =	vld [tilespmem:s15+$0x18900]  }
0x32: {  	v0 =	vld [tilespmem:s15+$0x18960]  }
0x33: {  	v53 =	vld [tilespmem:s15+$0x18910]  }
0x34: {  	v54 =	vld [tilespmem:s15+$0x18920]  }
0x35: {  	v58 =	vld [tilespmem:s15+$0x18930]  }
0x36: {  	v59 =	vld [tilespmem:s15+$0x18940]  }
0x37: {  	v60 =	vld [tilespmem:s15+$0x18950];
	[tilespmem:$0x1FFC0] =	vst v0  }
0x38: {  	v0 =	vld [tilespmem:s15+$0x18970];
	_ =	sdelay $0x4  }
0x39: {  	[tilespmem:$0x1FFD0] =	vst v0  }
0x3a: {  	v61 =	vld [tilespmem:s15+$0x18880]  }
0x3b: {  	v62 =	vld [tilespmem:s15+$0x18890]  }
0x3c: {  	v0 =	vld [tilespmem:s15+$0x188F0]  }
0x3d: {  	v8 =	vld [tilespmem:s15+$0x188A0]  }
0x3e: {  	v6 =	vld [tilespmem:s15+$0x188B0]  }
0x3f: {  	v4 =	vld [tilespmem:s15+$0x188C0]  }
0x40: {  	v17 =	vld [tilespmem:s15+$0x188D0]  }
0x41: {  	v7 =	vld [tilespmem:s15+$0x188E0];
	[tilespmem:$0x1FFE0] =	vst v0  }
0x42: {  	v63 =	vld [tilespmem:s15+$0x18800]  }
0x43: {  	v0 =	vld [tilespmem:s15+$0x18810]  }
0x44: {  	v1 =	vld [tilespmem:s15+$0x18820]  }
0x45: {  	v9 =	vld [tilespmem:s15+$0x18830]  }
0x46: {  	v31 =	vld [tilespmem:s15+$0x18840]  }
0x47: {  	v22 =	vld [tilespmem:s15+$0x18850]  }
0x48: {  	v12 =	vld [tilespmem:s15+$0x18860]  }
0x49: {  	v10 =	vld [tilespmem:s15+$0x18870]  }
0x4a: {  	v11 =	vld [tilespmem:s15+$0x18780]  }
0x4b: {  	v13 =	vld [tilespmem:s15+$0x18790]  }
0x4c: {  	v14 =	vld [tilespmem:s15+$0x187A0]  }
0x4d: {  	v25 =	vld [tilespmem:s15+$0x187B0]  }
0x4e: {  	v36 =	vld [tilespmem:s15+$0x187C0]  }
0x4f: {  	v30 =	vld [tilespmem:s15+$0x187D0]  }
0x50: {  	v21 =	vld [tilespmem:s15+$0x187E0]  }
0x51: {  	v16 =	vld [tilespmem:s15+$0x187F0]  }
0x52: {  	v26 =	vld [tilespmem:s15+$0x18700]  }
0x53: {  	v27 =	vld [tilespmem:s15+$0x18710]  }
0x54: {  	v28 =	vld [tilespmem:s15+$0x18720]  }
0x55: {  	v33 =	vld [tilespmem:s15+$0x18730]  }
0x56: {  	v39 =	vld [tilespmem:s15+$0x18740]  }
0x57: {  	v35 =	vld [tilespmem:s15+$0x18750]  }
0x58: {  	v29 =	vld [tilespmem:s15+$0x18760]  }
0x59: {  	v2 =	vld.idx.msk [tilespmem:v45+s2+$0x0], $0xffff  }
0x5a: {  	v43 =	vld.idx.msk [tilespmem:v15+s2+$0x0], $0xffff  }
0x5b: {  	v42 =	vld.idx.msk [tilespmem:v18+s2+$0x0], $0xffff  }
0x5c: {  	v40 =	vld.idx.msk [tilespmem:v37+s2+$0x0], $0xffff  }
0x5d: {  	v37 =	vld.idx.msk [tilespmem:v41+s2+$0x0], $0xffff  }
0x5e: {  	v18 =	vld.idx.msk [tilespmem:v44+s2+$0x0], $0xffff;
	[tilespmem:$0x1FFF0] =	vst v2  }
0x5f: {  	v47 =	vld.idx.msk [tilespmem:v19+s2+$0x0], $0xffff  }
0x60: {  	v46 =	vld.idx.msk [tilespmem:v3+s2+$0x0], $0xffff  }
0x61: {  	v44 =	vld.idx.msk [tilespmem:v24+s2+$0x0], $0xffff  }
0x62: {  	v41 =	vld.idx.msk [tilespmem:v48+s2+$0x0], $0xffff  }
0x63: {  	v15 =	vld.idx.msk [tilespmem:v49+s2+$0x0], $0xffff  }
0x64: {  	v19 =	vld.idx.msk [tilespmem:v52+s2+$0x0], $0xffff  }
0x65: {  	v52 =	vld.idx.msk [tilespmem:v55+s2+$0x0], $0xffff  }
0x66: {  	v49 =	vld.idx.msk [tilespmem:v32+s2+$0x0], $0xffff  }
0x67: {  	v48 =	vld.idx.msk [tilespmem:v56+s2+$0x0], $0xffff  }
0x68: {  	v45 =	vld.idx.msk [tilespmem:v34+s2+$0x0], $0xffff  }
0x69: {  	v32 =	vld.idx.msk [tilespmem:v38+s2+$0x0], $0xffff  }
0x6a: {  	v24 =	vld.idx.msk [tilespmem:v50+s2+$0x0], $0xffff  }
0x6b: {  	v57 =	vld.idx.msk [tilespmem:v51+s2+$0x0], $0xffff  }
0x6c: {  	v56 =	vld.idx.msk [tilespmem:v53+s2+$0x0], $0xffff  }
0x6d: {  	v55 =	vld.idx.msk [tilespmem:v54+s2+$0x0], $0xffff  }
0x6e: {  	v50 =	vld.idx.msk [tilespmem:v58+s2+$0x0], $0xffff  }
0x6f: {  	v38 =	vld.idx.msk [tilespmem:v59+s2+$0x0], $0xffff  }
0x70: {  	v34 =	vld.idx.msk [tilespmem:v60+s2+$0x0], $0xffff  }
0x71: {  	v59 =	vld.idx.msk [tilespmem:v61+s2+$0x0], $0xffff  }
0x72: {  	v58 =	vld.idx.msk [tilespmem:v62+s2+$0x0], $0xffff  }
0x73: {  	v54 =	vld.idx.msk [tilespmem:v8+s2+$0x0], $0xffff  }
0x74: {  	v62 =	vld.idx.msk [tilespmem:v63+s2+$0x0], $0xffff  }
0x75: {  	v60 =	vld.idx.msk [tilespmem:v0+s2+$0x0], $0xffff  }
0x76: {  	v0 =	vld.idx.msk [tilespmem:v11+s2+$0x0], $0xffff  }
0x77: {  	v11 =	vld.idx.msk [tilespmem:v13+s2+$0x0], $0xffff  }
0x78: {  	v13 =	vld.idx.msk [tilespmem:v26+s2+$0x0], $0xffff  }
0x79: {  	v51 =	vld.idx.msk [tilespmem:v27+s2+$0x0], $0xffff  }
0x7a: {  	v28 =	vld.idx.msk [tilespmem:v28+s2+$0x0], $0xffff  }
0x7b: {  	v53 =	vld.idx.msk [tilespmem:v33+s2+$0x0], $0xffff  }
0x7c: {  	v27 =	vld.idx.msk [tilespmem:v14+s2+$0x0], $0xffff  }
0x7d: {  	v63 =	vld.idx.msk [tilespmem:v25+s2+$0x0], $0xffff  }
0x7e: {  	v5 =	vimm.f32 $0.0e+00;
	v26 =	vld.idx.msk [tilespmem:v1+s2+$0x0], $0xffff  }
0x7f: {  	v61 =	vld.idx.msk [tilespmem:v9+s2+$0x0], $0xffff;
	v1 =	vadd.f32 v13, v5  }
0x80: {  	v8 =	vimm.f32 $0.0e+00;
	v33 =	vld [tilespmem:s15+$0x18770];
	v9 =	vadd.f32 v51, v5  }
0x81: {  	v25 =	vld.idx.msk [tilespmem:v6+s2+$0x0], $0xffff;
	v6 =	vimm.f32 $0.0e+00;
	v1 =	vadd.f32 v0, v1;
	v0 =	vadd.f32 v28, v5  }
0x82: {  	s15 =	simm.s32 $0x1000;
	v51 =	vld.idx.msk [tilespmem:v4+s2+$0x0], $0xffff;
	v13 =	vimm.f32 $0.0e+00;
	v28 =	vadd.f32 v53, v5;
	v53 =	vadd.f32 v11, v9  }
.LBB2_2:
0x83: {  	_ =	sdelay $0x2  }
0x84: {  	v20 =	vld.idx.msk [tilespmem:v17+s2+$0x0], $0xffff  }
0x85: {  	v21 =	vld.idx.msk [tilespmem:v21+s2+$0x0], $0xffff  }
0x86: {  	v17 =	vld.idx.msk [tilespmem:v16+s2+$0x0], $0xffff  }
0x87: {  	v16 =	vld.idx.msk [tilespmem:v12+s2+$0x0], $0xffff  }
0x88: {  	v2 =	vld [tilespmem:$0x1FFE0];
	s16 =	sshra.s32 s15, $0x2  }
0x89: {  	v1 =	vadd.f32 v62, v1;
	v62 =	vld [tilespmem:s16+$0x18940]  }
0x8a: {  	v14 =	vld [tilespmem:s16+$0x18720]  }
0x8b: {  	v1 =	vadd.f32 v59, v1;
	v59 =	vld [tilespmem:s16+$0x18910]  }
0x8c: {  	v31 =	vld.idx.msk [tilespmem:v31+s2+$0x0], $0xffff  }
0x8d: {  	v23 =	vld.idx.msk [tilespmem:v22+s2+$0x0], $0xffff  }
0x8e: {  	v30 =	vld.idx.msk [tilespmem:v30+s2+$0x0], $0xffff  }
0x8f: {  	v0 =	vadd.f32 v27, v0;
	v35 =	vld.idx.msk [tilespmem:v35+s2+$0x0], $0xffff  }
0x90: {  	v29 =	vld.idx.msk [tilespmem:v29+s2+$0x0], $0xffff  }
0x91: {  	v0 =	vadd.f32 v26, v0;
	v33 =	vld.idx.msk [tilespmem:v33+s2+$0x0], $0xffff  }
0x92: {  	v27 =	vadd.f32 v63, v28;
	v28 =	vadd.f32 v60, v53;
	v60 =	vld [tilespmem:s16+$0x18920]  }
0x93: {  	v0 =	vadd.f32 v54, v0;
	v54 =	vld [tilespmem:s16+$0x188A0]  }
0x94: {  	v53 =	vld [tilespmem:s16+$0x188B0]  }
0x95: {  	v22 =	vld [tilespmem:s16+$0x18850]  }
0x96: {  	v1 =	vadd.f32 v57, v1;
	v57 =	vld [tilespmem:s16+$0x189D0]  }
0x97: {  	v26 =	vadd.f32 v61, v27;
	v27 =	vld.idx.msk [tilespmem:v36+s2+$0x0], $0xffff  }
0x98: {  	v0 =	vadd.f32 v55, v0;
	v55 =	vld [tilespmem:s16+$0x189B0]  }
0x99: {  	v28 =	vadd.f32 v58, v28;
	v58 =	vld [tilespmem:s16+$0x18900]  }
0x9a: {  	v61 =	vld [tilespmem:s16+$0x18930]  }
0x9b: {  	v36 =	vld [tilespmem:s16+$0x187C0]  }
0x9c: {  	v25 =	vadd.f32 v25, v26;
	v26 =	vld.idx.msk [tilespmem:v39+s2+$0x0], $0xffff  }
0x9d: {  	v0 =	vadd.f32 v48, v0;
	v48 =	vld [tilespmem:s16+$0x18980]  }
0x9e: {  	v28 =	vadd.f32 v56, v28;
	v56 =	vld [tilespmem:s16+$0x189C0]  }
0x9f: {  	v39 =	vld [tilespmem:s16+$0x18740]  }
0xa0: {  	v11 =	vadd.f32 v29, v8;
	v8 =	vld.idx.msk [tilespmem:v2+s2+$0x0], $0xffff  }
0xa1: {  	v2 =	vld [tilespmem:$0x1FFC0]  }
0xa2: {  	v9 =	vadd.f32 v33, v13;
	v13 =	vld [tilespmem:s16+$0x18710]  }
0xa3: {  	v12 =	vadd.f32 v35, v6;
	v35 =	vld [tilespmem:s16+$0x18750]  }
0xa4: {  	v29 =	vld [tilespmem:s16+$0x18760]  }
0xa5: {  	v33 =	vld [tilespmem:s16+$0x18770]  }
0xa6: {  	v28 =	vadd.f32 v49, v28;
	v49 =	vld [tilespmem:s16+$0x18990]  }
0xa7: {  	v25 =	vadd.f32 v50, v25;
	v50 =	vld [tilespmem:s16+$0x189A0]  }
0xa8: {  	v1 =	vadd.f32 v52, v1;
	v9 =	vadd.f32 v17, v9;
	v17 =	vld [tilespmem:s16+$0x188E0]  }
0xa9: {  	v12 =	vadd.f32 v30, v12;
	v30 =	vld [tilespmem:s16+$0x187D0]  }
0xaa: {  	v1 =	vadd.f32 v47, v1;
	v11 =	vadd.f32 v21, v11;
	v21 =	vld [tilespmem:s16+$0x187F0]  }
0xab: {  	v25 =	vadd.f32 v45, v25;
	v45 =	vld [tilespmem:s16+$0x18A50]  }
0xac: {  	v1 =	vadd.f32 v43, v1;
	v54 =	vld.idx.msk [tilespmem:v54+s2+$0x0], $0xffff  }
0xad: {  	v28 =	vadd.f32 v46, v28;
	v12 =	vadd.f32 v23, v12;
	v23 =	vld [tilespmem:s16+$0x187E0]  }
0xae: {  	v0 =	vadd.f32 v44, v0;
	v11 =	vadd.f32 v16, v11;
	v16 =	vld [tilespmem:s16+$0x18730]  }
0xaf: {  	[tilespmem:$0x1FF00] =	vst v1;
	v63 =	vadd.f32 v41, v25;
	v1 =	vadd.f32 v42, v28;
	v41 =	vld [tilespmem:s16+$0x18AC0]  }
0xb0: {  	v25 =	vld [tilespmem:s16+$0x188D0]  }
0xb1: {  	v0 =	vadd.f32 v40, v0;
	[tilespmem:$0x1FF10] =	vst v1;
	v1 =	vld.idx.msk [tilespmem:v10+s2+$0x0], $0xffff  }
0xb2: {  	v10 =	vld.idx.msk [tilespmem:v7+s2+$0x0], $0xffff  }
0xb3: {  	[tilespmem:$0x1FF20] =	vst v0;
	v0 =	vadd.f32 v37, v63;
	v37 =	vld [tilespmem:s16+$0x18AB0]  }
0xb4: {  	v63 =	vld [tilespmem:s16+$0x18950]  }
0xb5: {  	v7 =	vld.idx.msk [tilespmem:v2+s2+$0x0], $0xffff  }
0xb6: {  	v2 =	vld [tilespmem:$0x1FFD0]  }
0xb7: {  	v52 =	vld.idx.msk [tilespmem:v48+s2+$0x0], $0xffff  }
0xb8: {  	[tilespmem:$0x1FF30] =	vst v0;
	v0 =	vadd.f32 v26, v5;
	v26 =	vld [tilespmem:s16+$0x18A20]  }
0xb9: {  	v49 =	vld.idx.msk [tilespmem:v49+s2+$0x0], $0xffff  }
0xba: {  	v48 =	vld.idx.msk [tilespmem:v50+s2+$0x0], $0xffff  }
0xbb: {  	v50 =	vld.idx.msk [tilespmem:v61+s2+$0x0], $0xffff  }
0xbc: {  	v0 =	vadd.f32 v27, v0;
	v27 =	vld [tilespmem:s16+$0x18A30]  }
0xbd: {  	v1 =	vadd.f32 v1, v9;
	v9 =	vadd.f32 v20, v12;
	v20 =	vld [tilespmem:s16+$0x18860]  }
0xbe: {  	v6 =	vld.idx.msk [tilespmem:v2+s2+$0x0], $0xffff  }
0xbf: {  	v2 =	vld [tilespmem:$0x1FFA0]  }
0xc0: {  	v10 =	vadd.f32 v10, v11;
	v11 =	vld [tilespmem:s16+$0x187B0]  }
0xc1: {  	v12 =	vld [tilespmem:s16+$0x18700]  }
0xc2: {  	v0 =	vadd.f32 v31, v0;
	v31 =	vld [tilespmem:s16+$0x18840]  }
0xc3: {  	v1 =	vadd.f32 v8, v1;
	v8 =	vadd.f32 v34, v9;
	v9 =	vld [tilespmem:$0x1FF60]  }
0xc4: {  	v34 =	vld [tilespmem:s16+$0x18A80]  }
0xc5: {  	v7 =	vadd.f32 v7, v10;
	v10 =	vld [tilespmem:s16+$0x187A0]  }
0xc6: {  	v0 =	vadd.f32 v51, v0;
	v51 =	vld [tilespmem:s16+$0x188C0]  }
0xc7: {  	v5 =	vld.idx.msk [tilespmem:v2+s2+$0x0], $0xffff  }
0xc8: {  	v2 =	vld [tilespmem:$0x1FFB0]  }
0xc9: {  	v37 =	vld.idx.msk [tilespmem:v37+s2+$0x0], $0xffff  }
0xca: {  	v8 =	vadd.f32 v24, v8;
	v24 =	vld [tilespmem:s16+$0x18A90]  }
0xcb: {  	v0 =	vadd.f32 v38, v0;
	v38 =	vld [tilespmem:s16+$0x18A40]  }
0xcc: {  	v44 =	vld.idx.msk [tilespmem:v26+s2+$0x0], $0xffff  }
0xcd: {  	v26 =	vld.idx.msk [tilespmem:v45+s2+$0x0], $0xffff  }
0xce: {  	v45 =	vld.idx.msk [tilespmem:v55+s2+$0x0], $0xffff  }
0xcf: {  	v55 =	vld.idx.msk [tilespmem:v60+s2+$0x0], $0xffff  }
0xd0: {  	v4 =	vld.idx.msk [tilespmem:v2+s2+$0x0], $0xffff  }
0xd1: {  	v2 =	vld [tilespmem:$0x1FF80]  }
0xd2: {  	v0 =	vadd.f32 v32, v0;
	v32 =	vld [tilespmem:s16+$0x18AA0]  }
0xd3: {  	v1 =	vadd.f32 v6, v1;
	v6 =	vld [tilespmem:$0x1FF70]  }
0xd4: {  	v0 =	vadd.f32 v15, v0;
	v15 =	vld [tilespmem:s16+$0x18AD0]  }
0xd5: {  	v9 =	vld.idx.msk [tilespmem:v9+s2+$0x0], $0xffff  }
0xd6: {  	v43 =	vld.idx.msk [tilespmem:v34+s2+$0x0], $0xffff  }
0xd7: {  	v34 =	vld.idx.msk [tilespmem:v63+s2+$0x0], $0xffff  }
0xd8: {  	v63 =	vld.idx.msk [tilespmem:v11+s2+$0x0], $0xffff  }
0xd9: {  	v3 =	vld.idx.msk [tilespmem:v2+s2+$0x0], $0xffff  }
0xda: {  	v2 =	vld [tilespmem:$0x1FF90]  }
0xdb: {  	v0 =	vadd.f32 v18, v0;
	v18 =	vld.idx.msk [tilespmem:v41+s2+$0x0], $0xffff  }
0xdc: {  	v41 =	vld.idx.msk [tilespmem:v27+s2+$0x0], $0xffff  }
0xdd: {  	v27 =	vld.idx.msk [tilespmem:v10+s2+$0x0], $0xffff  }
0xde: {  	v51 =	vld.idx.msk [tilespmem:v51+s2+$0x0], $0xffff  }
0xdf: {  	v42 =	vld.idx.msk [tilespmem:v24+s2+$0x0], $0xffff  }
0xe0: {  	v24 =	vld.idx.msk [tilespmem:v57+s2+$0x0], $0xffff  }
0xe1: {  	[tilespmem:$0x1FF40] =	vst v0;
	v0 =	vld [tilespmem:$0x1FFF0]  }
0xe2: {  	v2 =	vld.idx.msk [tilespmem:v2+s2+$0x0], $0xffff  }
0xe3: {  	v57 =	vld.idx.msk [tilespmem:v58+s2+$0x0], $0xffff  }
0xe4: {  	v6 =	vld.idx.msk [tilespmem:v6+s2+$0x0], $0xffff  }
0xe5: {  	v40 =	vld.idx.msk [tilespmem:v32+s2+$0x0], $0xffff;
	v1 =	vadd.f32 v4, v1;
	v4 =	vadd.f32 v19, v8  }
0xe6: {  	v32 =	vld.idx.msk [tilespmem:v56+s2+$0x0], $0xffff  }
0xe7: {  	v15 =	vld.idx.msk [tilespmem:v15+s2+$0x0], $0xffff;
	v0 =	vadd.f32 v0, v4;
	v1 =	vadd.f32 v2, v1  }
0xe8: {  	v2 =	vld [tilespmem:s16+$0x18A60]  }
0xe9: {  	v56 =	vld.idx.msk [tilespmem:v59+s2+$0x0], $0xffff;
	[tilespmem:$0x1FF50] =	vst v0;
	v0 =	vadd.f32 v6, v1  }
0xea: {  	v5 =	vadd.f32 v5, v7;
	v7 =	vld [tilespmem:s16+$0x18830]  }
0xeb: {  	[tilespmem:$0x1FEF0] =	vst v0;
	v0 =	vld [tilespmem:s16+$0x18AE0]  }
0xec: {  	[tilespmem:$0x1FFF0] =	vst v15;
	v15 =	vld.idx.msk [tilespmem:v38+s2+$0x0], $0xffff  }
0xed: {  	[tilespmem:$0x1FF80] =	vst v2;
	v2 =	vld [tilespmem:s16+$0x18A70]  }
0xee: {  	v38 =	vld.idx.msk [tilespmem:v62+s2+$0x0], $0xffff  }
0xef: {  	v4 =	vld [tilespmem:s16+$0x188F0]  }
0xf0: {  	[tilespmem:$0x1FF60] =	vst v0;
	v0 =	vld [tilespmem:s16+$0x18AF0]  }
0xf1: {  	v6 =	vld [tilespmem:s16+$0x18820]  }
0xf2: {  	[tilespmem:$0x1FF90] =	vst v2;
	v2 =	vld [tilespmem:s16+$0x189E0]  }
0xf3: {  	v19 =	vld [tilespmem:s16+$0x18870]  }
0xf4: {  	v8 =	vld [tilespmem:s16+$0x18780]  }
0xf5: {  	[tilespmem:$0x1FF70] =	vst v0;
	v0 =	vld [tilespmem:s16+$0x18A00]  }
0xf6: {  	[tilespmem:$0x1FFE0] =	vst v4;
	v4 =	vld [tilespmem:s16+$0x18800];
	v3 =	vadd.f32 v3, v5  }
0xf7: {  	[tilespmem:$0x1FFA0] =	vst v2;
	v2 =	vld [tilespmem:s16+$0x189F0]  }
0xf8: {  	v28 =	vadd.f32 v9, v3;
	v3 =	vld [tilespmem:s16+$0x18890]  }
0xf9: {  	v5 =	vld [tilespmem:s16+$0x18810]  }
0xfa: {  	v10 =	vmov v19;
	v19 =	vmov v26;
	v26 =	vld.idx.msk [tilespmem:v6+s2+$0x0], $0xffff  }
0xfb: {  	v6 =	vld [tilespmem:$0x1FF00]  }
0xfc: {  	[tilespmem:$0x1FFB0] =	vst v2;
	v2 =	vld [tilespmem:s16+$0x18960]  }
0xfd: {  	v47 =	vld.idx.msk [tilespmem:v0+s2+$0x0], $0xffff  }
0xfe: {  	v0 =	vld.idx.msk [tilespmem:v12+s2+$0x0], $0xffff  }
0xff: {  	v1 =	vld [tilespmem:s16+$0x18A10]  }
0x100: {  	v58 =	vld.idx.msk [tilespmem:v3+s2+$0x0], $0xffff  }
0x101: {  	[tilespmem:$0x1FFC0] =	vst v2;
	v2 =	vld [tilespmem:s16+$0x18970]  }
0x102: {  	v3 =	vld.idx.msk [tilespmem:v13+s2+$0x0], $0xffff  }
0x103: {  	v6 =	vadd.f32 v0, v6;
	v0 =	vld [tilespmem:$0x1FF10]  }
0x104: {  	v9 =	vld [tilespmem:s16+$0x18790]  }
0x105: {  	v62 =	vld.idx.msk [tilespmem:v4+s2+$0x0], $0xffff  }
0x106: {  	[tilespmem:$0x1FFD0] =	vst v2;
	v2 =	vld [tilespmem:s16+$0x18880]  }
0x107: {  	v4 =	vld.idx.msk [tilespmem:v14+s2+$0x0], $0xffff  }
0x108: {  	v3 =	vadd.f32 v3, v0;
	v0 =	vld [tilespmem:$0x1FF20]  }
0x109: {  	v60 =	vld.idx.msk [tilespmem:v5+s2+$0x0], $0xffff  }
0x10a: {  	v5 =	vld.idx.msk [tilespmem:v16+s2+$0x0], $0xffff  }
0x10b: {  	v46 =	vld.idx.msk [tilespmem:v1+s2+$0x0], $0xffff  }
0x10c: {  	v1 =	vld.idx.msk [tilespmem:v8+s2+$0x0], $0xffff  }
0x10d: {  	v0 =	vadd.f32 v4, v0;
	v4 =	vld [tilespmem:$0x1FF30]  }
0x10e: {  	v59 =	vld.idx.msk [tilespmem:v2+s2+$0x0], $0xffff  }
0x10f: {  	p0 =	sne.s32 s15, $0x18000;
	v2 =	vld.idx.msk [tilespmem:v9+s2+$0x0], $0xffff  }
.Ltmp0:
0x110: {  	v61 =	vld.idx.msk [tilespmem:v7+s2+$0x0], $0xffff;
	(pc) =	sbr.rel @p0 .LBB2_2-.Ltmp0, $4  }
0x111: {  	v7 =	vmov v17;
	v17 =	vmov v25;
	v25 =	vld.idx.msk [tilespmem:v53+s2+$0x0], $0xffff  }
0x112: {  	v13 =	vld [tilespmem:$0x1FEF0]  }
0x113: {  	v16 =	vmov v21;
	v1 =	vadd.f32 v1, v6;
	v6 =	vld [tilespmem:$0x1FF50]  }
0x114: {  	s15 =	sadd.s32 $0x1000, s15;
	v21 =	vmovc v23;
	v8 =	vmovc v28;
	v12 =	vmov v20;
	v28 =	vadd.f32 v5, v4;
	v5 =	vld [tilespmem:$0x1FF40];
	v53 =	vadd.f32 v2, v3  }
0x115: {  	v1 =	vadd.f32 v62, v1;
	_ =	sdelay $0x1  }
0x116: {  	v1 =	vadd.f32 v59, v1;
	_ =	sdelay $0x1  }
0x117: {  	v1 =	vadd.f32 v57, v1;
	_ =	sdelay $0x1  }
0x118: {  	v1 =	vadd.f32 v52, v1;
	_ =	sdelay $0x1  }
0x119: {  	v1 =	vadd.f32 v47, v1;
	_ =	sdelay $0x1  }
0x11a: {  	v1 =	vadd.f32 v43, v1;
	_ =	sdelay $0x1  }
0x11b: {  	v1 =	vmul.f32 $4.999999890e-03, v1  }
0x11c: {  	v2 =	vadd.f32 v60, v53  }
0x11d: {  	v1 =	vsub.f32 $0.0e+00, v1  }
0x11e: {  	v2 =	vadd.f32 v58, v2  }
0x11f: {  	v1 =	vmul.f32 $1.442695020e+00, v1  }
0x120: {  	v2 =	vadd.f32 v56, v2  }
0x121: {  	(erf) = vpow2.f32 v1  }
0x122: {  	v4 =	vadd.f32 v49, v2;
	_ =	sdelay $0x1  }
0x123: {  	v1 =	vadd.f32 v46, v4;
	_ =	sdelay $0x1  }
0x124: {  	v1 =	vadd.f32 v42, v1  }
0x125: {  	v0 =	vadd.f32 v27, v0  }
0x126: {  	v1 =	vmul.f32 $4.999999890e-03, v1  }
0x127: {  	v0 =	vadd.f32 v26, v0  }
0x128: {  	v1 =	vsub.f32 $0.0e+00, v1;
	v9 =	vpop (erf)  }
0x129: {  	v0 =	vadd.f32 v54, v0;
	v2 =	vadd.f32 $1.000000000e+00, v9  }
0x12a: {  	v1 =	vmul.f32 $1.442695020e+00, v1  }
0x12b: {  	v0 =	vadd.f32 v55, v0;
	(erf) = vrcp.f32 v2  }
0x12c: {  	(erf) = vpow2.f32 v1  }
0x12d: {  	v0 =	vadd.f32 v48, v0;
	_ =	sdelay $0x1  }
0x12e: {  	v0 =	vadd.f32 v44, v0;
	_ =	sdelay $0x1  }
0x12f: {  	v0 =	vadd.f32 v40, v0  }
0x130: {  	v11 =	vadd.f32 v63, v28  }
0x131: {  	v0 =	vmul.f32 $4.999999890e-03, v0  }
0x132: {  	v1 =	vadd.f32 v61, v11;
	v2 =	vpop (erf)  }
0x133: {  	v0 =	vsub.f32 $0.0e+00, v0;
	v3 =	vpop (erf)  }
0x134: {  	v1 =	vadd.f32 v25, v1;
	v3 =	vadd.f32 $1.000000000e+00, v3  }
0x135: {  	v0 =	vmul.f32 $1.442695020e+00, v0  }
0x136: {  	v14 =	vld.idx.msk [tilespmem:v39+s2+$0x0], $0xffff;
	v1 =	vadd.f32 v50, v1;
	(erf) = vrcp.f32 v3  }
0x137: {  	(erf) = vpow2.f32 v0  }
0x138: {  	v23 =	vld.idx.msk [tilespmem:v36+s2+$0x0], $0xffff;
	v20 =	vadd.f32 v45, v1;
	_ =	sdelay $0x1  }
0x139: {  	v4 =	vld.idx.msk [tilespmem:v31+s2+$0x0], $0xffff;
	v0 =	vadd.f32 v41, v20  }
0x13a: {  	v3 =	vadd.f32 v14, v5  }
0x13b: {  	v0 =	vadd.f32 v37, v0  }
0x13c: {  	v1 =	vadd.f32 v23, v3  }
0x13d: {  	v0 =	vmul.f32 $4.999999890e-03, v0  }
0x13e: {  	v1 =	vadd.f32 v4, v1;
	v25 =	vpop (erf)  }
0x13f: {  	v0 =	vsub.f32 $0.0e+00, v0;
	v26 =	vpop (erf)  }
0x140: {  	v1 =	vadd.f32 v51, v1;
	v4 =	vadd.f32 $1.000000000e+00, v26  }
0x141: {  	v0 =	vmul.f32 $1.442695020e+00, v0  }
0x142: {  	v27 =	vld.idx.msk [tilespmem:v35+s2+$0x0], $0xffff;
	v1 =	vadd.f32 v38, v1;
	(erf) = vrcp.f32 v4  }
0x143: {  	(erf) = vpow2.f32 v0  }
0x144: {  	v30 =	vld.idx.msk [tilespmem:v30+s2+$0x0], $0xffff;
	v28 =	vadd.f32 v32, v1;
	_ =	sdelay $0x1  }
0x145: {  	v31 =	vld.idx.msk [tilespmem:v22+s2+$0x0], $0xffff;
	v0 =	vadd.f32 v15, v28  }
0x146: {  	v4 =	vadd.f32 v27, v6  }
0x147: {  	v32 =	vld.idx.msk [tilespmem:v17+s2+$0x0], $0xffff;
	v0 =	vadd.f32 v18, v0  }
0x148: {  	v1 =	vadd.f32 v30, v4  }
0x149: {  	v0 =	vmul.f32 $4.999999890e-03, v0  }
0x14a: {  	v1 =	vadd.f32 v31, v1;
	v35 =	vpop (erf)  }
0x14b: {  	v0 =	vsub.f32 $0.0e+00, v0;
	v36 =	vpop (erf)  }
0x14c: {  	v39 =	vld.idx.msk [tilespmem:v21+s2+$0x0], $0xffff;
	v1 =	vadd.f32 v32, v1;
	v5 =	vadd.f32 $1.000000000e+00, v36  }
0x14d: {  	v42 =	vld [tilespmem:$0x1FFC0];
	v0 =	vmul.f32 $1.442695020e+00, v0  }
0x14e: {  	v37 =	vld.idx.msk [tilespmem:v29+s2+$0x0], $0xffff;
	v1 =	vadd.f32 v34, v1;
	(erf) = vrcp.f32 v5  }
0x14f: {  	v41 =	vld [tilespmem:$0x1FFF0];
	(erf) = vpow2.f32 v0  }
0x150: {  	v44 =	vld [tilespmem:$0x1FFA0];
	v38 =	vadd.f32 v24, v1  }
0x151: {  	v40 =	vld.idx.msk [tilespmem:v12+s2+$0x0], $0xffff  }
0x152: {  	v46 =	vld [tilespmem:$0x1FF80];
	v0 =	vadd.f32 v19, v38  }
0x153: {  	v7 =	vld.idx.msk [tilespmem:v7+s2+$0x0], $0xffff;
	v5 =	vadd.f32 v37, v8  }
0x154: {  	v48 =	vld [tilespmem:$0x1FF60];
	v0 =	vadd.f32 v41, v0  }
0x155: {  	v54 =	vld [tilespmem:$0x1FFB0];
	v1 =	vadd.f32 v39, v5  }
0x156: {  	v5 =	vld.idx.msk [tilespmem:v42+s2+$0x0], $0xffff;
	v0 =	vmul.f32 $4.999999890e-03, v0  }
0x157: {  	v52 =	vld [tilespmem:$0x1FFD0];
	v1 =	vadd.f32 v40, v1;
	v43 =	vpop (erf)  }
0x158: {  	v8 =	vld.idx.msk [tilespmem:v44+s2+$0x0], $0xffff;
	v0 =	vsub.f32 $0.0e+00, v0;
	v9 =	vpop (erf)  }
0x159: {  	v51 =	vld [tilespmem:$0x1FFE0];
	v1 =	vadd.f32 v7, v1;
	v45 =	vadd.f32 $1.000000000e+00, v9  }
0x15a: {  	v0 =	vmul.f32 $1.442695020e+00, v0;
	v9 =	vld.idx.msk [tilespmem:v46+s2+$0x0], $0xffff  }
0x15b: {  	v47 =	vld.idx.msk [tilespmem:v33+s2+$0x0], $0xffff;
	v1 =	vadd.f32 v5, v1;
	(erf) = vrcp.f32 v45  }
0x15c: {  	(erf) = vpow2.f32 v0;
	v0 =	vld.idx.msk [tilespmem:v48+s2+$0x0], $0xffff  }
0x15d: {  	v49 =	vld.idx.msk [tilespmem:v16+s2+$0x0], $0xffff;
	v1 =	vadd.f32 v8, v1  }
0x15e: {  	v57 =	vld [tilespmem:$0x1FF90]  }
0x15f: {  	v50 =	vld.idx.msk [tilespmem:v10+s2+$0x0], $0xffff;
	v1 =	vadd.f32 v9, v1  }
0x160: {  	v58 =	vld [tilespmem:$0x1FF70];
	v5 =	vadd.f32 v47, v13  }
0x161: {  	v0 =	vadd.f32 v0, v1;
	v1 =	vld.idx.msk [tilespmem:v51+s2+$0x0], $0xffff  }
0x162: {  	v5 =	vadd.f32 v49, v5  }
0x163: {  	v7 =	vld.idx.msk [tilespmem:v52+s2+$0x0], $0xffff;
	v0 =	vmul.f32 $4.999999890e-03, v0  }
0x164: {  	v5 =	vadd.f32 v50, v5;
	v53 =	vpop (erf)  }
0x165: {  	v9 =	vld.idx.msk [tilespmem:v54+s2+$0x0], $0xffff;
	v55 =	vpop (erf);
	v0 =	vsub.f32 $0.0e+00, v0  }
0x166: {  	v1 =	vadd.f32 v1, v5;
	v56 =	vadd.f32 $1.000000000e+00, v55  }
0x167: {  	v10 =	vld.idx.msk [tilespmem:v57+s2+$0x0], $0xffff;
	v0 =	vmul.f32 $1.442695020e+00, v0  }
0x168: {  	v1 =	vadd.f32 v7, v1;
	(erf) = vrcp.f32 v56  }
0x169: {  	(erf) = vpow2.f32 v0;
	v0 =	vld.idx.msk [tilespmem:v58+s2+$0x0], $0xffff  }
0x16a: {  	v1 =	vadd.f32 v9, v1;
	_ =	sdelay $0x1  }
0x16b: {  	v1 =	vadd.f32 v10, v1;
	_ =	sdelay $0x1  }
0x16c: {  	v0 =	vadd.f32 v0, v1;
	_ =	sdelay $0x1  }
0x16d: {  	v0 =	vmul.f32 $4.999999890e-03, v0  }
0x16e: {  	v59 =	vpop (erf)  }
0x16f: {  	v60 =	vpop (erf);
	v0 =	vsub.f32 $0.0e+00, v0  }
0x170: {  	v5 =	vadd.f32 $1.000000000e+00, v60  }
0x171: {  	v0 =	vmul.f32 $1.442695020e+00, v0  }
0x172: {  	(erf) = vrcp.f32 v5  }
0x173: {  	(erf) = vpow2.f32 v0;
	_ =	sdelay $0x7  }
0x174: {  	v61 =	vpop (erf)  }
0x175: {  	v62 =	vpop (erf)  }
0x176: {  	v5 =	vadd.f32 $1.000000000e+00, v62;
	_ =	sdelay $0x1  }
0x177: {  	(erf) = vrcp.f32 v5;
	_ =	sdelay $0x2  }
0x178: {  	[tilespmem:$0x1EB00] =	vst v2  }
0x179: {  	[tilespmem:$0x1EB10] =	vst v25  }
0x17a: {  	[tilespmem:$0x1EB20] =	vst v35  }
0x17b: {  	[tilespmem:$0x1EB30] =	vst v43  }
0x17c: {  	[tilespmem:$0x1EB40] =	vst v53  }
0x17d: {  	s14 =	sadd.s32 $0x1, s14;
	[tilespmem:$0x1EB50] =	vst v59  }
0x17e: {  	p0 =	sne.s32 s14, s6;
	[tilespmem:$0x1EB60] =	vst v61;
	v63 =	vpop (erf)  }
.Ltmp1:
0x17f: {  	[tilespmem:$0x1EB70] =	vst v63;
	(pc) =	sbr.rel @p0 .LBB2_1-.Ltmp1, $4  }
0x180: {  	[hbm4b:s5+s2] =	stream.linear.scatter [tilespmem:s12], [sflag:$0x3], $0x80, $0x38;
	[tilespmem:$0x1EB80] =	vst v63  }
0x181: {  	_ =	swait.ge [sflag:s13], $0x80  }
0x182: {  	[sflag:s13] =	ssyncset.done $0x0  }
0x183: {  	[sflag:s13] =	ssyncadd.s32 $0xFFFFFF80  }
0x184: {  	_ =	sfence.sel $0x180000  }
0x185: {  	[bflag:$0x0] =	sbarrier.arrive $0xFFFF  }
0x186: {  	p0 =	sne.s32 s1, $0x0;
	_ =	strace $0x90000047  }
0x187: {  	s0 =	sadd.s32 @!p0 $0x100000, s0;
	[bflag:$0x2] =	sbarrier.arrive $0xFFFF  }
0x188: {  	[sflag:s0] =	ssyncadd.tile.s32 @!p0 $0x1;
	_ =	shalt  }
.Lfunc_end2:
_tile_overlayer_lowered:
.L_overlay_start_2:
0x189: {  	(tag) =	ssettag $0x2  }
0x18a: {  	s0 =	rddreg [dreg:$0x0];
	s2 =	stileid.u32  }
0x18b: {  	s1 =	rddreg [dreg:$0x1];
	p0 =	sne.s32 s2, $0x0  }
0x18c: {  	s3 =	rddreg [dreg:$0x2];
	[bflag:$0x3] =	sbarrier.arrive $0xFFFF;
	s2 =	simm.s32 @!p0 $0x1C03  }
0x18d: {  	[timem:s3], [sflag:s2] =	dma.local @!p0 [hbm:s0], s1  }
0x18e: {  	s0 =	simm.s32 @!p0 $0x3  }
0x18f: {  	_ =	swait.ge @!p0 [sflag:s0], s1  }
0x190: {  	s1 =	ssub.s32 @!p0 $0x0, s1;
	[sflag:s0] =	ssyncset.done @!p0 $0x0  }
0x191: {  	[sflag:s0] =	ssyncadd.s32 @!p0 s1  }
0x192: {  	[bflag:$0x3] =	sbarrier.arrive $0xFFFF  }
0x193: {  	_ =	shalt  }

</sc_bundles>
